<compile_context>
chip_gen: v7x
topology: tpu7x:2x2x1
jax: 0.10.2.dev20260603
libtpu: 0.0.44.dev20260713+nightly
codegen_flags: <defaults>
</compile_context>

<pallas_src>
import functools

import jax
import jax.numpy as jnp
from jax import lax
from jax.experimental import pallas as pl
from jax.experimental.pallas import tpu as pltpu
from jax.experimental.pallas import tpu_sc as plsc

_LANES = 16


def _build_lookup(B, V, D, num_workers, chunk, nbuf):
    b_per_w = B // num_workers
    n_chunks = b_per_w // chunk
    n_outer = n_chunks // nbuf
    assert n_outer * nbuf == n_chunks
    scale = float(D) ** 0.5
    mesh = plsc.VectorSubcoreMesh(core_axis_name="c", subcore_axis_name="s")
    nc = 2
    D2 = 2 * D

    scratch = [pltpu.VMEM((b_per_w,), jnp.int32)]
    scratch += [pltpu.VMEM((chunk, D), jnp.float32) for _ in range(nbuf)]
    scratch += [pltpu.VMEM((chunk, D2), jnp.float32) for _ in range(nbuf)]
    scratch += [pltpu.SemaphoreType.DMA for _ in range(2 * nbuf)]

    @functools.partial(
        pl.kernel,
        mesh=mesh,
        out_type=jax.ShapeDtypeStruct((B, D2), jnp.float32),
        scratch_types=scratch,
        compiler_params=pltpu.CompilerParams(
            use_tc_tiling_on_sc=False, needs_layout_passes=False
        ),
    )
    def lookup(idx_hbm, table_hbm, out_hbm, idx_v, *bufs):
        gb = bufs[:nbuf]
        sb = bufs[nbuf : 2 * nbuf]
        sem_g = bufs[2 * nbuf : 3 * nbuf]
        sem_s = bufs[3 * nbuf :]

        wid = lax.axis_index("s") * nc + lax.axis_index("c")
        base = wid * b_per_w
        pltpu.sync_copy(idx_hbm.at[pl.ds(base, b_per_w)], idx_v)

        @plsc.parallel_loop(0, b_per_w // _LANES, unroll=8)
        def _dbl(k):
            s = pl.ds(k * _LANES, _LANES)
            v = idx_v[s]
            idx_v[s] = v + v

        def gather(off, b):
            return pltpu.make_async_copy(
                table_hbm.at[idx_v.at[pl.ds(off, chunk)]], gb[b], sem_g[b]
            )

        def put(b, off):
            return pltpu.make_async_copy(
                sb[b], out_hbm.at[pl.ds(base + off, chunk)], sem_s[b]
            )

        for b in range(nbuf):
            gather(b * chunk, b).start()

        def outer_body(o, carry):
            for b in range(nbuf):
                off = (o * nbuf + b) * chunk
                gather(off, b).wait()

                @pl.when(o > 0)
                def _wait_prev_store():
                    put(b, 0).wait()

                @plsc.parallel_loop(0, chunk, unroll=8)
                def _scale(r):
                    for c in range(D // _LANES):
                        s = pl.ds(c * _LANES, _LANES)
                        sb[b][r, s] = gb[b][r, s] * scale
                put(b, off).start()

                @pl.when(off + nbuf * chunk < b_per_w)
                def _next_gather():
                    gather(off + nbuf * chunk, b).start()

            return carry

        lax.fori_loop(0, n_outer, outer_body, 0)

        for b in range(nbuf):
            put(b, 0).wait()

    return lookup


def kernel(input_, table):
    B0, S = input_.shape
    V, D = table.shape
    B = B0 * S
    idx = input_.reshape(B).astype(jnp.int32)
    table_d = jnp.pad(table, ((0, 0), (0, D))).reshape(2 * V, D)
    lookup = _build_lookup(B, V, D, num_workers=32, chunk=64, nbuf=5)
    out_p = lookup(idx, table_d)
    return out_p[:, :D].reshape(B0, S, D)

# --- scband reference (transcript-rebuilt; emitter-appended) ---
"""Pipeline reference for scband-standard-word-embedding-11991548690609 (READ-ONLY COPY).

The authoritative reference and input builder live on the scoring server;
editing this copy changes nothing except your own understanding.
"""

import jax, jax.numpy as jnp
import numpy as np

NUM_EMBEDDINGS = 1000000
EMBEDDING_DIM = 64


def setup_inputs(seed: int = 0) -> dict:
    key = jax.random.key(seed)
    k1, k2 = jax.random.split(key)
    input_ = jax.random.randint(k1, (4096, 200), 0, NUM_EMBEDDINGS, dtype=jnp.int64 if jax.config.jax_enable_x64 else jnp.int32)
    # nn.Embedding default init: N(0, 1)
    table = jax.random.normal(k2, (NUM_EMBEDDINGS, EMBEDDING_DIM), dtype=jnp.float32)
    return {"input_": input_, "table": table}


def reference(input_, table):
    scale = EMBEDDING_DIM ** 0.5
    # embedding lookup -> gather rows
    out = jnp.take(table, input_, axis=0) * scale
    return out

if __name__ == "__main__":
    import jax
    _d = setup_inputs()
    print(jax.jit(kernel)(*tuple(_d.values())))

</pallas_src>

<mosaic_0001>
#map = affine_map<(d0, d1) -> (0)>
#map1 = affine_map<(d0, d1) -> (0, 0)>
module attributes {stable_mosaic.version = 14 : i64} {
  func.func @lookup(%arg0: i32, %arg1: i32, %arg2: memref<819200xi32, #tpu.memory_space<hbm>>, %arg3: memref<2000000x64xf32, #tpu.memory_space<hbm>>, %arg4: memref<819200x128xf32, #tpu.memory_space<hbm>>, %arg5: memref<25600xi32, #tpu.memory_space<vmem>>, %arg6: memref<64x64xf32, #tpu.memory_space<vmem>>, %arg7: memref<64x64xf32, #tpu.memory_space<vmem>>, %arg8: memref<64x64xf32, #tpu.memory_space<vmem>>, %arg9: memref<64x64xf32, #tpu.memory_space<vmem>>, %arg10: memref<64x64xf32, #tpu.memory_space<vmem>>, %arg11: memref<64x128xf32, #tpu.memory_space<vmem>>, %arg12: memref<64x128xf32, #tpu.memory_space<vmem>>, %arg13: memref<64x128xf32, #tpu.memory_space<vmem>>, %arg14: memref<64x128xf32, #tpu.memory_space<vmem>>, %arg15: memref<64x128xf32, #tpu.memory_space<vmem>>, %arg16: memref<!tpu.dma_semaphore, #tpu.memory_space<semaphore_mem>>, %arg17: memref<!tpu.dma_semaphore, #tpu.memory_space<semaphore_mem>>, %arg18: memref<!tpu.dma_semaphore, #tpu.memory_space<semaphore_mem>>, %arg19: memref<!tpu.dma_semaphore, #tpu.memory_space<semaphore_mem>>, %arg20: memref<!tpu.dma_semaphore, #tpu.memory_space<semaphore_mem>>, %arg21: memref<!tpu.dma_semaphore, #tpu.memory_space<semaphore_mem>>, %arg22: memref<!tpu.dma_semaphore, #tpu.memory_space<semaphore_mem>>, %arg23: memref<!tpu.dma_semaphore, #tpu.memory_space<semaphore_mem>>, %arg24: memref<!tpu.dma_semaphore, #tpu.memory_space<semaphore_mem>>, %arg25: memref<!tpu.dma_semaphore, #tpu.memory_space<semaphore_mem>>) attributes {dimension_semantics = [#tpu.dimension_semantics<core_parallel>, #tpu.dimension_semantics<subcore_parallel>], iteration_bounds = array<i64: 2, 16>, scalar_prefetch = 0 : i64, scratch_operands = 21 : i64, tpu.core_type = #tpu.core_type<sc_vector_subcore>, window_params = [{transform_indices = #map}, {transform_indices = #map1}, {transform_indices = #map1}]} {
    %mul3A = arith.constant 2 : i32
    %mul3A_0 = arith.muli %arg1, %mul3A : i32
    %add3A = arith.addi %mul3A_0, %arg0 : i32
    %mul3A_1 = arith.constant 25600 : i32
    %mul3A_2 = arith.muli %add3A, %mul3A_1 : i32
    "tpu.region"() ({
      %run_scoped3A = tpu.sem_alloc : memref<!tpu.dma_semaphore, #tpu.memory_space<semaphore_mem>>
      %dma_start3A_63 = tpu.memref_slice %arg2[%mul3A_2] : memref<819200xi32, #tpu.memory_space<hbm>> -> memref<25600xi32, #tpu.memory_space<hbm>>
      %dma_start3A_64 = tpu.memref_slice %arg2[%mul3A_2] : memref<819200xi32, #tpu.memory_space<hbm>> -> memref<25600xi32, #tpu.memory_space<hbm>>
      tpu.enqueue_dma source(%dma_start3A_64 : memref<25600xi32, #tpu.memory_space<hbm>>) target(%arg5 : memref<25600xi32, #tpu.memory_space<vmem>>) target_semaphore(%run_scoped3A : memref<!tpu.dma_semaphore, #tpu.memory_space<semaphore_mem>>)
      %dma_wait3A_65 = tpu.memref_slice %arg2[%mul3A_2] : memref<819200xi32, #tpu.memory_space<hbm>> -> memref<25600xi32, #tpu.memory_space<hbm>>
      %dma_wait3A_66 = tpu.memref_slice %arg2[%mul3A_2] : memref<819200xi32, #tpu.memory_space<hbm>> -> memref<25600xi32, #tpu.memory_space<hbm>>
      tpu.wait_dma2 semaphore(%run_scoped3A : memref<!tpu.dma_semaphore, #tpu.memory_space<semaphore_mem>>) src(%dma_wait3A_66 : memref<25600xi32, #tpu.memory_space<hbm>>) dst(%arg5 : memref<25600xi32, #tpu.memory_space<vmem>>)
      tpu.yield
    }) : () -> ()
    %parallel_loop3A = arith.constant 0 : i32
    %parallel_loop3A_3 = arith.constant 1600 : i32
    %parallel_loop3A_4 = arith.constant 1 : i32
    scf.for %parallel_loop3A_63 = %parallel_loop3A to %parallel_loop3A_3 step %parallel_loop3A_4  : i32 {
      %parallel_loop3A_64 = arith.constant 16 : i32
      %parallel_loop3A_65 = arith.muli %parallel_loop3A_63, %parallel_loop3A_64 : i32
      %parallel_loop3A_66 = arith.index_cast %parallel_loop3A_65 : i32 to index
      %parallel_loop3A_67 = tpu.vector_load %arg5[%parallel_loop3A_66] {strides = array<i32>} : memref<25600xi32, #tpu.memory_space<vmem>>, vector<16xi32>,
      %parallel_loop3A_68 = arith.addi %parallel_loop3A_67, %parallel_loop3A_67 : vector<16xi32>
      %parallel_loop3A_69 = arith.index_cast %parallel_loop3A_65 : i32 to index
      %parallel_loop3A_70 = tpu.vector_load %arg5[%parallel_loop3A_69] {strides = array<i32>} : memref<25600xi32, #tpu.memory_space<vmem>>, vector<16xi32>,
      tpu.vector_store %arg5[%parallel_loop3A_69], %parallel_loop3A_68 {strides = array<i32>} : memref<25600xi32, #tpu.memory_space<vmem>>, vector<16xi32>,
    } {sc.loop_unroll_factor = 8 : i64, sc.parallel_access}
    %dma_start3A = arith.constant 0 : i32
    %dma_start3A_5 = tpu.memref_slice %arg5[%dma_start3A] : memref<25600xi32, #tpu.memory_space<vmem>> -> memref<64xi32, #tpu.memory_space<vmem>>
    %dma_start3A_6 = arith.constant 0 : i32
    %dma_start3A_7 = arith.constant 0 : i32
    %dma_start3A_8 = tpu.memref_slice %arg3[%dma_start3A_6, %dma_start3A_7] : memref<2000000x64xf32, #tpu.memory_space<hbm>> -> memref<2000000x64xf32, #tpu.memory_space<hbm>>
    tpu.enqueue_indirect_dma source(%dma_start3A_8 : memref<2000000x64xf32, #tpu.memory_space<hbm>>) target(%arg6 : memref<64x64xf32, #tpu.memory_space<vmem>>) offsets(%dma_start3A_5 : memref<64xi32, #tpu.memory_space<vmem>>) semaphore(%arg16 : memref<!tpu.dma_semaphore, #tpu.memory_space<semaphore_mem>>)
    %dma_start3A_9 = arith.constant 64 : i32
    %dma_start3A_10 = tpu.memref_slice %arg5[%dma_start3A_9] : memref<25600xi32, #tpu.memory_space<vmem>> -> memref<64xi32, #tpu.memory_space<vmem>>
    %dma_start3A_11 = arith.constant 0 : i32
    %dma_start3A_12 = arith.constant 0 : i32
    %dma_start3A_13 = tpu.memref_slice %arg3[%dma_start3A_11, %dma_start3A_12] : memref<2000000x64xf32, #tpu.memory_space<hbm>> -> memref<2000000x64xf32, #tpu.memory_space<hbm>>
    tpu.enqueue_indirect_dma source(%dma_start3A_13 : memref<2000000x64xf32, #tpu.memory_space<hbm>>) target(%arg7 : memref<64x64xf32, #tpu.memory_space<vmem>>) offsets(%dma_start3A_10 : memref<64xi32, #tpu.memory_space<vmem>>) semaphore(%arg17 : memref<!tpu.dma_semaphore, #tpu.memory_space<semaphore_mem>>)
    %dma_start3A_14 = arith.constant 128 : i32
    %dma_start3A_15 = tpu.memref_slice %arg5[%dma_start3A_14] : memref<25600xi32, #tpu.memory_space<vmem>> -> memref<64xi32, #tpu.memory_space<vmem>>
    %dma_start3A_16 = arith.constant 0 : i32
    %dma_start3A_17 = arith.constant 0 : i32
    %dma_start3A_18 = tpu.memref_slice %arg3[%dma_start3A_16, %dma_start3A_17] : memref<2000000x64xf32, #tpu.memory_space<hbm>> -> memref<2000000x64xf32, #tpu.memory_space<hbm>>
    tpu.enqueue_indirect_dma source(%dma_start3A_18 : memref<2000000x64xf32, #tpu.memory_space<hbm>>) target(%arg8 : memref<64x64xf32, #tpu.memory_space<vmem>>) offsets(%dma_start3A_15 : memref<64xi32, #tpu.memory_space<vmem>>) semaphore(%arg18 : memref<!tpu.dma_semaphore, #tpu.memory_space<semaphore_mem>>)
    %dma_start3A_19 = arith.constant 192 : i32
    %dma_start3A_20 = tpu.memref_slice %arg5[%dma_start3A_19] : memref<25600xi32, #tpu.memory_space<vmem>> -> memref<64xi32, #tpu.memory_space<vmem>>
    %dma_start3A_21 = arith.constant 0 : i32
    %dma_start3A_22 = arith.constant 0 : i32
    %dma_start3A_23 = tpu.memref_slice %arg3[%dma_start3A_21, %dma_start3A_22] : memref<2000000x64xf32, #tpu.memory_space<hbm>> -> memref<2000000x64xf32, #tpu.memory_space<hbm>>
    tpu.enqueue_indirect_dma source(%dma_start3A_23 : memref<2000000x64xf32, #tpu.memory_space<hbm>>) target(%arg9 : memref<64x64xf32, #tpu.memory_space<vmem>>) offsets(%dma_start3A_20 : memref<64xi32, #tpu.memory_space<vmem>>) semaphore(%arg19 : memref<!tpu.dma_semaphore, #tpu.memory_space<semaphore_mem>>)
    %dma_start3A_24 = arith.constant 256 : i32
    %dma_start3A_25 = tpu.memref_slice %arg5[%dma_start3A_24] : memref<25600xi32, #tpu.memory_space<vmem>> -> memref<64xi32, #tpu.memory_space<vmem>>
    %dma_start3A_26 = arith.constant 0 : i32
    %dma_start3A_27 = arith.constant 0 : i32
    %dma_start3A_28 = tpu.memref_slice %arg3[%dma_start3A_26, %dma_start3A_27] : memref<2000000x64xf32, #tpu.memory_space<hbm>> -> memref<2000000x64xf32, #tpu.memory_space<hbm>>
    tpu.enqueue_indirect_dma source(%dma_start3A_28 : memref<2000000x64xf32, #tpu.memory_space<hbm>>) target(%arg10 : memref<64x64xf32, #tpu.memory_space<vmem>>) offsets(%dma_start3A_25 : memref<64xi32, #tpu.memory_space<vmem>>) semaphore(%arg20 : memref<!tpu.dma_semaphore, #tpu.memory_space<semaphore_mem>>)
    %scan3A = arith.constant 0 : i32
    %scan3A_29 = arith.constant 0 : i32
    %scan3A_30 = arith.constant 80 : i32
    %scan3A_31 = arith.addi %scan3A_29, %scan3A_30 : i32
    %scan3A_32 = arith.constant 1 : i32
    scf.for %scan3A_63 = %scan3A_29 to %scan3A_31 step %scan3A_32  : i32 {
      %mul3A_64 = arith.constant 5 : i32
      %mul3A_65 = arith.muli %scan3A_63, %mul3A_64 : i32
      %add3A_66 = arith.constant 0 : i32
      %add3A_67 = arith.addi %mul3A_65, %add3A_66 : i32
      %mul3A_68 = arith.constant 64 : i32
      %mul3A_69 = arith.muli %add3A_67, %mul3A_68 : i32
      %dma_wait3A_70 = tpu.memref_slice %arg5[%mul3A_69] : memref<25600xi32, #tpu.memory_space<vmem>> -> memref<64xi32, #tpu.memory_space<vmem>>
      %dma_wait3A_71 = arith.constant 0 : i32
      %dma_wait3A_72 = arith.constant 0 : i32
      %dma_wait3A_73 = tpu.memref_slice %arg3[%dma_wait3A_71, %dma_wait3A_72] : memref<2000000x64xf32, #tpu.memory_space<hbm>> -> memref<2000000x64xf32, #tpu.memory_space<hbm>>
      tpu.wait_indirect_dma semaphore(%arg16 : memref<!tpu.dma_semaphore, #tpu.memory_space<semaphore_mem>>) src(%dma_wait3A_73 : memref<2000000x64xf32, #tpu.memory_space<hbm>>) dst(%arg6 : memref<64x64xf32, #tpu.memory_space<vmem>>)
      %gt3A = arith.constant 0 : i32
      %gt3A_74 = arith.cmpi sgt, %scan3A_63, %gt3A : i32
      %convert_element_type3A = arith.extui %gt3A_74 : i1 to i32
      %cond3A = arith.constant 0 : i32
      %cond3A_75 = arith.cmpi ne, %convert_element_type3A, %cond3A : i32
      scf.if %cond3A_75 {
        %add3A_210 = arith.constant 0 : i32
        %add3A_211 = arith.addi %mul3A_2, %add3A_210 : i32
        %dma_wait3A_212 = arith.constant 0 : i32
        %dma_wait3A_213 = tpu.memref_slice %arg4[%add3A_211, %dma_wait3A_212] : memref<819200x128xf32, #tpu.memory_space<hbm>> -> memref<64x128xf32, #tpu.memory_space<hbm>>
        %dma_wait3A_214 = arith.constant 0 : i32
        %dma_wait3A_215 = tpu.memref_slice %arg4[%add3A_211, %dma_wait3A_214] : memref<819200x128xf32, #tpu.memory_space<hbm>> -> memref<64x128xf32, #tpu.memory_space<hbm>>
        tpu.wait_dma2 semaphore(%arg21 : memref<!tpu.dma_semaphore, #tpu.memory_space<semaphore_mem>>) src(%arg11 : memref<64x128xf32, #tpu.memory_space<vmem>>) dst(%dma_wait3A_215 : memref<64x128xf32, #tpu.memory_space<hbm>>)
      } else {
      }
      %parallel_loop3A_76 = arith.constant 0 : i32
      %parallel_loop3A_77 = arith.constant 64 : i32
      %parallel_loop3A_78 = arith.constant 1 : i32
      scf.for %parallel_loop3A_210 = %parallel_loop3A_76 to %parallel_loop3A_77 step %parallel_loop3A_78  : i32 {
        %parallel_loop3A_211 = arith.index_cast %parallel_loop3A_210 : i32 to index
        %parallel_loop3A_212 = arith.constant 0 : index
        %parallel_loop3A_213 = tpu.vector_load %arg6[%parallel_loop3A_211, %parallel_loop3A_212] {strides = array<i32>} : memref<64x64xf32, #tpu.memory_space<vmem>>, vector<16xf32>,
        %parallel_loop3A_214 = arith.constant 8.000000e+00 : f32
        %parallel_loop3A_215 = vector.broadcast %parallel_loop3A_214 : f32 to vector<16xf32>
        %parallel_loop3A_216 = arith.mulf %parallel_loop3A_213, %parallel_loop3A_215 : vector<16xf32>
        %parallel_loop3A_217 = arith.index_cast %parallel_loop3A_210 : i32 to index
        %parallel_loop3A_218 = arith.constant 0 : index
        %parallel_loop3A_219 = tpu.vector_load %arg11[%parallel_loop3A_217, %parallel_loop3A_218] {strides = array<i32>} : memref<64x128xf32, #tpu.memory_space<vmem>>, vector<16xf32>,
        tpu.vector_store %arg11[%parallel_loop3A_217, %parallel_loop3A_218], %parallel_loop3A_216 {strides = array<i32>} : memref<64x128xf32, #tpu.memory_space<vmem>>, vector<16xf32>,
        %parallel_loop3A_220 = arith.index_cast %parallel_loop3A_210 : i32 to index
        %parallel_loop3A_221 = arith.constant 16 : index
        %parallel_loop3A_222 = tpu.vector_load %arg6[%parallel_loop3A_220, %parallel_loop3A_221] {strides = array<i32>} : memref<64x64xf32, #tpu.memory_space<vmem>>, vector<16xf32>,
        %parallel_loop3A_223 = arith.constant 8.000000e+00 : f32
        %parallel_loop3A_224 = vector.broadcast %parallel_loop3A_223 : f32 to vector<16xf32>
        %parallel_loop3A_225 = arith.mulf %parallel_loop3A_222, %parallel_loop3A_224 : vector<16xf32>
        %parallel_loop3A_226 = arith.index_cast %parallel_loop3A_210 : i32 to index
        %parallel_loop3A_227 = arith.constant 16 : index
        %parallel_loop3A_228 = tpu.vector_load %arg11[%parallel_loop3A_226, %parallel_loop3A_227] {strides = array<i32>} : memref<64x128xf32, #tpu.memory_space<vmem>>, vector<16xf32>,
        tpu.vector_store %arg11[%parallel_loop3A_226, %parallel_loop3A_227], %parallel_loop3A_225 {strides = array<i32>} : memref<64x128xf32, #tpu.memory_space<vmem>>, vector<16xf32>,
        %parallel_loop3A_229 = arith.index_cast %parallel_loop3A_210 : i32 to index
        %parallel_loop3A_230 = arith.constant 32 : index
        %parallel_loop3A_231 = tpu.vector_load %arg6[%parallel_loop3A_229, %parallel_loop3A_230] {strides = array<i32>} : memref<64x64xf32, #tpu.memory_space<vmem>>, vector<16xf32>,
        %parallel_loop3A_232 = arith.constant 8.000000e+00 : f32
        %parallel_loop3A_233 = vector.broadcast %parallel_loop3A_232 : f32 to vector<16xf32>
        %parallel_loop3A_234 = arith.mulf %parallel_loop3A_231, %parallel_loop3A_233 : vector<16xf32>
        %parallel_loop3A_235 = arith.index_cast %parallel_loop3A_210 : i32 to index
        %parallel_loop3A_236 = arith.constant 32 : index
        %parallel_loop3A_237 = tpu.vector_load %arg11[%parallel_loop3A_235, %parallel_loop3A_236] {strides = array<i32>} : memref<64x128xf32, #tpu.memory_space<vmem>>, vector<16xf32>,
        tpu.vector_store %arg11[%parallel_loop3A_235, %parallel_loop3A_236], %parallel_loop3A_234 {strides = array<i32>} : memref<64x128xf32, #tpu.memory_space<vmem>>, vector<16xf32>,
        %parallel_loop3A_238 = arith.index_cast %parallel_loop3A_210 : i32 to index
        %parallel_loop3A_239 = arith.constant 48 : index
        %parallel_loop3A_240 = tpu.vector_load %arg6[%parallel_loop3A_238, %parallel_loop3A_239] {strides = array<i32>} : memref<64x64xf32, #tpu.memory_space<vmem>>, vector<16xf32>,
        %parallel_loop3A_241 = arith.constant 8.000000e+00 : f32
        %parallel_loop3A_242 = vector.broadcast %parallel_loop3A_241 : f32 to vector<16xf32>
        %parallel_loop3A_243 = arith.mulf %parallel_loop3A_240, %parallel_loop3A_242 : vector<16xf32>
        %parallel_loop3A_244 = arith.index_cast %parallel_loop3A_210 : i32 to index
        %parallel_loop3A_245 = arith.constant 48 : index
        %parallel_loop3A_246 = tpu.vector_load %arg11[%parallel_loop3A_244, %parallel_loop3A_245] {strides = array<i32>} : memref<64x128xf32, #tpu.memory_space<vmem>>, vector<16xf32>,
        tpu.vector_store %arg11[%parallel_loop3A_244, %parallel_loop3A_245], %parallel_loop3A_243 {strides = array<i32>} : memref<64x128xf32, #tpu.memory_space<vmem>>, vector<16xf32>,
      } {sc.loop_unroll_factor = 8 : i64, sc.parallel_access}
      %add3A_79 = arith.addi %mul3A_2, %mul3A_69 : i32
      %dma_start3A_80 = arith.constant 0 : i32
      %dma_start3A_81 = tpu.memref_slice %arg4[%add3A_79, %dma_start3A_80] : memref<819200x128xf32, #tpu.memory_space<hbm>> -> memref<64x128xf32, #tpu.memory_space<hbm>>
      %dma_start3A_82 = arith.constant 0 : i32
      %dma_start3A_83 = tpu.memref_slice %arg4[%add3A_79, %dma_start3A_82] : memref<819200x128xf32, #tpu.memory_space<hbm>> -> memref<64x128xf32, #tpu.memory_space<hbm>>
      tpu.enqueue_dma source(%arg11 : memref<64x128xf32, #tpu.memory_space<vmem>>) target(%dma_start3A_83 : memref<64x128xf32, #tpu.memory_space<hbm>>) target_semaphore(%arg21 : memref<!tpu.dma_semaphore, #tpu.memory_space<semaphore_mem>>)
      %add3A_84 = arith.constant 320 : i32
      %add3A_85 = arith.addi %mul3A_69, %add3A_84 : i32
      %lt3A = arith.constant 25600 : i32
      %lt3A_86 = arith.cmpi slt, %add3A_85, %lt3A : i32
      %convert_element_type3A_87 = arith.extui %lt3A_86 : i1 to i32
      %cond3A_88 = arith.constant 0 : i32
      %cond3A_89 = arith.cmpi ne, %convert_element_type3A_87, %cond3A_88 : i32
      scf.if %cond3A_89 {
        %add3A_210 = arith.constant 320 : i32
        %add3A_211 = arith.addi %mul3A_69, %add3A_210 : i32
        %dma_start3A_212 = tpu.memref_slice %arg5[%add3A_211] : memref<25600xi32, #tpu.memory_space<vmem>> -> memref<64xi32, #tpu.memory_space<vmem>>
        %dma_start3A_213 = arith.constant 0 : i32
        %dma_start3A_214 = arith.constant 0 : i32
        %dma_start3A_215 = tpu.memref_slice %arg3[%dma_start3A_213, %dma_start3A_214] : memref<2000000x64xf32, #tpu.memory_space<hbm>> -> memref<2000000x64xf32, #tpu.memory_space<hbm>>
        tpu.enqueue_indirect_dma source(%dma_start3A_215 : memref<2000000x64xf32, #tpu.memory_space<hbm>>) target(%arg6 : memref<64x64xf32, #tpu.memory_space<vmem>>) offsets(%dma_start3A_212 : memref<64xi32, #tpu.memory_space<vmem>>) semaphore(%arg16 : memref<!tpu.dma_semaphore, #tpu.memory_space<semaphore_mem>>)
      } else {
      }
      %mul3A_90 = arith.constant 5 : i32
      %mul3A_91 = arith.muli %scan3A_63, %mul3A_90 : i32
      %add3A_92 = arith.constant 1 : i32
      %add3A_93 = arith.addi %mul3A_91, %add3A_92 : i32
      %mul3A_94 = arith.constant 64 : i32
      %mul3A_95 = arith.muli %add3A_93, %mul3A_94 : i32
      %dma_wait3A_96 = tpu.memref_slice %arg5[%mul3A_95] : memref<25600xi32, #tpu.memory_space<vmem>> -> memref<64xi32, #tpu.memory_space<vmem>>
      %dma_wait3A_97 = arith.constant 0 : i32
      %dma_wait3A_98 = arith.constant 0 : i32
      %dma_wait3A_99 = tpu.memref_slice %arg3[%dma_wait3A_97, %dma_wait3A_98] : memref<2000000x64xf32, #tpu.memory_space<hbm>> -> memref<2000000x64xf32, #tpu.memory_space<hbm>>
      tpu.wait_indirect_dma semaphore(%arg17 : memref<!tpu.dma_semaphore, #tpu.memory_space<semaphore_mem>>) src(%dma_wait3A_99 : memref<2000000x64xf32, #tpu.memory_space<hbm>>) dst(%arg7 : memref<64x64xf32, #tpu.memory_space<vmem>>)
      %gt3A_100 = arith.constant 0 : i32
      %gt3A_101 = arith.cmpi sgt, %scan3A_63, %gt3A_100 : i32
      %convert_element_type3A_102 = arith.extui %gt3A_101 : i1 to i32
      %cond3A_103 = arith.constant 0 : i32
      %cond3A_104 = arith.cmpi ne, %convert_element_type3A_102, %cond3A_103 : i32
      scf.if %cond3A_104 {
        %add3A_210 = arith.constant 0 : i32
        %add3A_211 = arith.addi %mul3A_2, %add3A_210 : i32
        %dma_wait3A_212 = arith.constant 0 : i32
        %dma_wait3A_213 = tpu.memref_slice %arg4[%add3A_211, %dma_wait3A_212] : memref<819200x128xf32, #tpu.memory_space<hbm>> -> memref<64x128xf32, #tpu.memory_space<hbm>>
        %dma_wait3A_214 = arith.constant 0 : i32
        %dma_wait3A_215 = tpu.memref_slice %arg4[%add3A_211, %dma_wait3A_214] : memref<819200x128xf32, #tpu.memory_space<hbm>> -> memref<64x128xf32, #tpu.memory_space<hbm>>
        tpu.wait_dma2 semaphore(%arg22 : memref<!tpu.dma_semaphore, #tpu.memory_space<semaphore_mem>>) src(%arg12 : memref<64x128xf32, #tpu.memory_space<vmem>>) dst(%dma_wait3A_215 : memref<64x128xf32, #tpu.memory_space<hbm>>)
      } else {
      }
      %parallel_loop3A_105 = arith.constant 0 : i32
      %parallel_loop3A_106 = arith.constant 64 : i32
      %parallel_loop3A_107 = arith.constant 1 : i32
      scf.for %parallel_loop3A_210 = %parallel_loop3A_105 to %parallel_loop3A_106 step %parallel_loop3A_107  : i32 {
        %parallel_loop3A_211 = arith.index_cast %parallel_loop3A_210 : i32 to index
        %parallel_loop3A_212 = arith.constant 0 : index
        %parallel_loop3A_213 = tpu.vector_load %arg7[%parallel_loop3A_211, %parallel_loop3A_212] {strides = array<i32>} : memref<64x64xf32, #tpu.memory_space<vmem>>, vector<16xf32>,
        %parallel_loop3A_214 = arith.constant 8.000000e+00 : f32
        %parallel_loop3A_215 = vector.broadcast %parallel_loop3A_214 : f32 to vector<16xf32>
        %parallel_loop3A_216 = arith.mulf %parallel_loop3A_213, %parallel_loop3A_215 : vector<16xf32>
        %parallel_loop3A_217 = arith.index_cast %parallel_loop3A_210 : i32 to index
        %parallel_loop3A_218 = arith.constant 0 : index
        %parallel_loop3A_219 = tpu.vector_load %arg12[%parallel_loop3A_217, %parallel_loop3A_218] {strides = array<i32>} : memref<64x128xf32, #tpu.memory_space<vmem>>, vector<16xf32>,
        tpu.vector_store %arg12[%parallel_loop3A_217, %parallel_loop3A_218], %parallel_loop3A_216 {strides = array<i32>} : memref<64x128xf32, #tpu.memory_space<vmem>>, vector<16xf32>,
        %parallel_loop3A_220 = arith.index_cast %parallel_loop3A_210 : i32 to index
        %parallel_loop3A_221 = arith.constant 16 : index
        %parallel_loop3A_222 = tpu.vector_load %arg7[%parallel_loop3A_220, %parallel_loop3A_221] {strides = array<i32>} : memref<64x64xf32, #tpu.memory_space<vmem>>, vector<16xf32>,
        %parallel_loop3A_223 = arith.constant 8.000000e+00 : f32
        %parallel_loop3A_224 = vector.broadcast %parallel_loop3A_223 : f32 to vector<16xf32>
        %parallel_loop3A_225 = arith.mulf %parallel_loop3A_222, %parallel_loop3A_224 : vector<16xf32>
        %parallel_loop3A_226 = arith.index_cast %parallel_loop3A_210 : i32 to index
        %parallel_loop3A_227 = arith.constant 16 : index
        %parallel_loop3A_228 = tpu.vector_load %arg12[%parallel_loop3A_226, %parallel_loop3A_227] {strides = array<i32>} : memref<64x128xf32, #tpu.memory_space<vmem>>, vector<16xf32>,
        tpu.vector_store %arg12[%parallel_loop3A_226, %parallel_loop3A_227], %parallel_loop3A_225 {strides = array<i32>} : memref<64x128xf32, #tpu.memory_space<vmem>>, vector<16xf32>,
        %parallel_loop3A_229 = arith.index_cast %parallel_loop3A_210 : i32 to index
        %parallel_loop3A_230 = arith.constant 32 : index
        %parallel_loop3A_231 = tpu.vector_load %arg7[%parallel_loop3A_229, %parallel_loop3A_230] {strides = array<i32>} : memref<64x64xf32, #tpu.memory_space<vmem>>, vector<16xf32>,
        %parallel_loop3A_232 = arith.constant 8.000000e+00 : f32
        %parallel_loop3A_233 = vector.broadcast %parallel_loop3A_232 : f32 to vector<16xf32>
        %parallel_loop3A_234 = arith.mulf %parallel_loop3A_231, %parallel_loop3A_233 : vector<16xf32>
        %parallel_loop3A_235 = arith.index_cast %parallel_loop3A_210 : i32 to index
        %parallel_loop3A_236 = arith.constant 32 : index
        %parallel_loop3A_237 = tpu.vector_load %arg12[%parallel_loop3A_235, %parallel_loop3A_236] {strides = array<i32>} : memref<64x128xf32, #tpu.memory_space<vmem>>, vector<16xf32>,
        tpu.vector_store %arg12[%parallel_loop3A_235, %parallel_loop3A_236], %parallel_loop3A_234 {strides = array<i32>} : memref<64x128xf32, #tpu.memory_space<vmem>>, vector<16xf32>,
        %parallel_loop3A_238 = arith.index_cast %parallel_loop3A_210 : i32 to index
        %parallel_loop3A_239 = arith.constant 48 : index
        %parallel_loop3A_240 = tpu.vector_load %arg7[%parallel_loop3A_238, %parallel_loop3A_239] {strides = array<i32>} : memref<64x64xf32, #tpu.memory_space<vmem>>, vector<16xf32>,
        %parallel_loop3A_241 = arith.constant 8.000000e+00 : f32
        %parallel_loop3A_242 = vector.broadcast %parallel_loop3A_241 : f32 to vector<16xf32>
        %parallel_loop3A_243 = arith.mulf %parallel_loop3A_240, %parallel_loop3A_242 : vector<16xf32>
        %parallel_loop3A_244 = arith.index_cast %parallel_loop3A_210 : i32 to index
        %parallel_loop3A_245 = arith.constant 48 : index
        %parallel_loop3A_246 = tpu.vector_load %arg12[%parallel_loop3A_244, %parallel_loop3A_245] {strides = array<i32>} : memref<64x128xf32, #tpu.memory_space<vmem>>, vector<16xf32>,
        tpu.vector_store %arg12[%parallel_loop3A_244, %parallel_loop3A_245], %parallel_loop3A_243 {strides = array<i32>} : memref<64x128xf32, #tpu.memory_space<vmem>>, vector<16xf32>,
      } {sc.loop_unroll_factor = 8 : i64, sc.parallel_access}
      %add3A_108 = arith.addi %mul3A_2, %mul3A_95 : i32
      %dma_start3A_109 = arith.constant 0 : i32
      %dma_start3A_110 = tpu.memref_slice %arg4[%add3A_108, %dma_start3A_109] : memref<819200x128xf32, #tpu.memory_space<hbm>> -> memref<64x128xf32, #tpu.memory_space<hbm>>
      %dma_start3A_111 = arith.constant 0 : i32
      %dma_start3A_112 = tpu.memref_slice %arg4[%add3A_108, %dma_start3A_111] : memref<819200x128xf32, #tpu.memory_space<hbm>> -> memref<64x128xf32, #tpu.memory_space<hbm>>
      tpu.enqueue_dma source(%arg12 : memref<64x128xf32, #tpu.memory_space<vmem>>) target(%dma_start3A_112 : memref<64x128xf32, #tpu.memory_space<hbm>>) target_semaphore(%arg22 : memref<!tpu.dma_semaphore, #tpu.memory_space<semaphore_mem>>)
      %add3A_113 = arith.constant 320 : i32
      %add3A_114 = arith.addi %mul3A_95, %add3A_113 : i32
      %lt3A_115 = arith.constant 25600 : i32
      %lt3A_116 = arith.cmpi slt, %add3A_114, %lt3A_115 : i32
      %convert_element_type3A_117 = arith.extui %lt3A_116 : i1 to i32
      %cond3A_118 = arith.constant 0 : i32
      %cond3A_119 = arith.cmpi ne, %convert_element_type3A_117, %cond3A_118 : i32
      scf.if %cond3A_119 {
        %add3A_210 = arith.constant 320 : i32
        %add3A_211 = arith.addi %mul3A_95, %add3A_210 : i32
        %dma_start3A_212 = tpu.memref_slice %arg5[%add3A_211] : memref<25600xi32, #tpu.memory_space<vmem>> -> memref<64xi32, #tpu.memory_space<vmem>>
        %dma_start3A_213 = arith.constant 0 : i32
        %dma_start3A_214 = arith.constant 0 : i32
        %dma_start3A_215 = tpu.memref_slice %arg3[%dma_start3A_213, %dma_start3A_214] : memref<2000000x64xf32, #tpu.memory_space<hbm>> -> memref<2000000x64xf32, #tpu.memory_space<hbm>>
        tpu.enqueue_indirect_dma source(%dma_start3A_215 : memref<2000000x64xf32, #tpu.memory_space<hbm>>) target(%arg7 : memref<64x64xf32, #tpu.memory_space<vmem>>) offsets(%dma_start3A_212 : memref<64xi32, #tpu.memory_space<vmem>>) semaphore(%arg17 : memref<!tpu.dma_semaphore, #tpu.memory_space<semaphore_mem>>)
      } else {
      }
      %mul3A_120 = arith.constant 5 : i32
      %mul3A_121 = arith.muli %scan3A_63, %mul3A_120 : i32
      %add3A_122 = arith.constant 2 : i32
      %add3A_123 = arith.addi %mul3A_121, %add3A_122 : i32
      %mul3A_124 = arith.constant 64 : i32
      %mul3A_125 = arith.muli %add3A_123, %mul3A_124 : i32
      %dma_wait3A_126 = tpu.memref_slice %arg5[%mul3A_125] : memref<25600xi32, #tpu.memory_space<vmem>> -> memref<64xi32, #tpu.memory_space<vmem>>
      %dma_wait3A_127 = arith.constant 0 : i32
      %dma_wait3A_128 = arith.constant 0 : i32
      %dma_wait3A_129 = tpu.memref_slice %arg3[%dma_wait3A_127, %dma_wait3A_128] : memref<2000000x64xf32, #tpu.memory_space<hbm>> -> memref<2000000x64xf32, #tpu.memory_space<hbm>>
      tpu.wait_indirect_dma semaphore(%arg18 : memref<!tpu.dma_semaphore, #tpu.memory_space<semaphore_mem>>) src(%dma_wait3A_129 : memref<2000000x64xf32, #tpu.memory_space<hbm>>) dst(%arg8 : memref<64x64xf32, #tpu.memory_space<vmem>>)
      %gt3A_130 = arith.constant 0 : i32
      %gt3A_131 = arith.cmpi sgt, %scan3A_63, %gt3A_130 : i32
      %convert_element_type3A_132 = arith.extui %gt3A_131 : i1 to i32
      %cond3A_133 = arith.constant 0 : i32
      %cond3A_134 = arith.cmpi ne, %convert_element_type3A_132, %cond3A_133 : i32
      scf.if %cond3A_134 {
        %add3A_210 = arith.constant 0 : i32
        %add3A_211 = arith.addi %mul3A_2, %add3A_210 : i32
        %dma_wait3A_212 = arith.constant 0 : i32
        %dma_wait3A_213 = tpu.memref_slice %arg4[%add3A_211, %dma_wait3A_212] : memref<819200x128xf32, #tpu.memory_space<hbm>> -> memref<64x128xf32, #tpu.memory_space<hbm>>
        %dma_wait3A_214 = arith.constant 0 : i32
        %dma_wait3A_215 = tpu.memref_slice %arg4[%add3A_211, %dma_wait3A_214] : memref<819200x128xf32, #tpu.memory_space<hbm>> -> memref<64x128xf32, #tpu.memory_space<hbm>>
        tpu.wait_dma2 semaphore(%arg23 : memref<!tpu.dma_semaphore, #tpu.memory_space<semaphore_mem>>) src(%arg13 : memref<64x128xf32, #tpu.memory_space<vmem>>) dst(%dma_wait3A_215 : memref<64x128xf32, #tpu.memory_space<hbm>>)
      } else {
      }
      %parallel_loop3A_135 = arith.constant 0 : i32
      %parallel_loop3A_136 = arith.constant 64 : i32
      %parallel_loop3A_137 = arith.constant 1 : i32
      scf.for %parallel_loop3A_210 = %parallel_loop3A_135 to %parallel_loop3A_136 step %parallel_loop3A_137  : i32 {
        %parallel_loop3A_211 = arith.index_cast %parallel_loop3A_210 : i32 to index
        %parallel_loop3A_212 = arith.constant 0 : index
        %parallel_loop3A_213 = tpu.vector_load %arg8[%parallel_loop3A_211, %parallel_loop3A_212] {strides = array<i32>} : memref<64x64xf32, #tpu.memory_space<vmem>>, vector<16xf32>,
        %parallel_loop3A_214 = arith.constant 8.000000e+00 : f32
        %parallel_loop3A_215 = vector.broadcast %parallel_loop3A_214 : f32 to vector<16xf32>
        %parallel_loop3A_216 = arith.mulf %parallel_loop3A_213, %parallel_loop3A_215 : vector<16xf32>
        %parallel_loop3A_217 = arith.index_cast %parallel_loop3A_210 : i32 to index
        %parallel_loop3A_218 = arith.constant 0 : index
        %parallel_loop3A_219 = tpu.vector_load %arg13[%parallel_loop3A_217, %parallel_loop3A_218] {strides = array<i32>} : memref<64x128xf32, #tpu.memory_space<vmem>>, vector<16xf32>,
        tpu.vector_store %arg13[%parallel_loop3A_217, %parallel_loop3A_218], %parallel_loop3A_216 {strides = array<i32>} : memref<64x128xf32, #tpu.memory_space<vmem>>, vector<16xf32>,
        %parallel_loop3A_220 = arith.index_cast %parallel_loop3A_210 : i32 to index
        %parallel_loop3A_221 = arith.constant 16 : index
        %parallel_loop3A_222 = tpu.vector_load %arg8[%parallel_loop3A_220, %parallel_loop3A_221] {strides = array<i32>} : memref<64x64xf32, #tpu.memory_space<vmem>>, vector<16xf32>,
        %parallel_loop3A_223 = arith.constant 8.000000e+00 : f32
        %parallel_loop3A_224 = vector.broadcast %parallel_loop3A_223 : f32 to vector<16xf32>
        %parallel_loop3A_225 = arith.mulf %parallel_loop3A_222, %parallel_loop3A_224 : vector<16xf32>
        %parallel_loop3A_226 = arith.index_cast %parallel_loop3A_210 : i32 to index
        %parallel_loop3A_227 = arith.constant 16 : index
        %parallel_loop3A_228 = tpu.vector_load %arg13[%parallel_loop3A_226, %parallel_loop3A_227] {strides = array<i32>} : memref<64x128xf32, #tpu.memory_space<vmem>>, vector<16xf32>,
        tpu.vector_store %arg13[%parallel_loop3A_226, %parallel_loop3A_227], %parallel_loop3A_225 {strides = array<i32>} : memref<64x128xf32, #tpu.memory_space<vmem>>, vector<16xf32>,
        %parallel_loop3A_229 = arith.index_cast %parallel_loop3A_210 : i32 to index
        %parallel_loop3A_230 = arith.constant 32 : index
        %parallel_loop3A_231 = tpu.vector_load %arg8[%parallel_loop3A_229, %parallel_loop3A_230] {strides = array<i32>} : memref<64x64xf32, #tpu.memory_space<vmem>>, vector<16xf32>,
        %parallel_loop3A_232 = arith.constant 8.000000e+00 : f32
        %parallel_loop3A_233 = vector.broadcast %parallel_loop3A_232 : f32 to vector<16xf32>
        %parallel_loop3A_234 = arith.mulf %parallel_loop3A_231, %parallel_loop3A_233 : vector<16xf32>
        %parallel_loop3A_235 = arith.index_cast %parallel_loop3A_210 : i32 to index
        %parallel_loop3A_236 = arith.constant 32 : index
        %parallel_loop3A_237 = tpu.vector_load %arg13[%parallel_loop3A_235, %parallel_loop3A_236] {strides = array<i32>} : memref<64x128xf32, #tpu.memory_space<vmem>>, vector<16xf32>,
        tpu.vector_store %arg13[%parallel_loop3A_235, %parallel_loop3A_236], %parallel_loop3A_234 {strides = array<i32>} : memref<64x128xf32, #tpu.memory_space<vmem>>, vector<16xf32>,
        %parallel_loop3A_238 = arith.index_cast %parallel_loop3A_210 : i32 to index
        %parallel_loop3A_239 = arith.constant 48 : index
        %parallel_loop3A_240 = tpu.vector_load %arg8[%parallel_loop3A_238, %parallel_loop3A_239] {strides = array<i32>} : memref<64x64xf32, #tpu.memory_space<vmem>>, vector<16xf32>,
        %parallel_loop3A_241 = arith.constant 8.000000e+00 : f32
        %parallel_loop3A_242 = vector.broadcast %parallel_loop3A_241 : f32 to vector<16xf32>
        %parallel_loop3A_243 = arith.mulf %parallel_loop3A_240, %parallel_loop3A_242 : vector<16xf32>
        %parallel_loop3A_244 = arith.index_cast %parallel_loop3A_210 : i32 to index
        %parallel_loop3A_245 = arith.constant 48 : index
        %parallel_loop3A_246 = tpu.vector_load %arg13[%parallel_loop3A_244, %parallel_loop3A_245] {strides = array<i32>} : memref<64x128xf32, #tpu.memory_space<vmem>>, vector<16xf32>,
        tpu.vector_store %arg13[%parallel_loop3A_244, %parallel_loop3A_245], %parallel_loop3A_243 {strides = array<i32>} : memref<64x128xf32, #tpu.memory_space<vmem>>, vector<16xf32>,
      } {sc.loop_unroll_factor = 8 : i64, sc.parallel_access}
      %add3A_138 = arith.addi %mul3A_2, %mul3A_125 : i32
      %dma_start3A_139 = arith.constant 0 : i32
      %dma_start3A_140 = tpu.memref_slice %arg4[%add3A_138, %dma_start3A_139] : memref<819200x128xf32, #tpu.memory_space<hbm>> -> memref<64x128xf32, #tpu.memory_space<hbm>>
      %dma_start3A_141 = arith.constant 0 : i32
      %dma_start3A_142 = tpu.memref_slice %arg4[%add3A_138, %dma_start3A_141] : memref<819200x128xf32, #tpu.memory_space<hbm>> -> memref<64x128xf32, #tpu.memory_space<hbm>>
      tpu.enqueue_dma source(%arg13 : memref<64x128xf32, #tpu.memory_space<vmem>>) target(%dma_start3A_142 : memref<64x128xf32, #tpu.memory_space<hbm>>) target_semaphore(%arg23 : memref<!tpu.dma_semaphore, #tpu.memory_space<semaphore_mem>>)
      %add3A_143 = arith.constant 320 : i32
      %add3A_144 = arith.addi %mul3A_125, %add3A_143 : i32
      %lt3A_145 = arith.constant 25600 : i32
      %lt3A_146 = arith.cmpi slt, %add3A_144, %lt3A_145 : i32
      %convert_element_type3A_147 = arith.extui %lt3A_146 : i1 to i32
      %cond3A_148 = arith.constant 0 : i32
      %cond3A_149 = arith.cmpi ne, %convert_element_type3A_147, %cond3A_148 : i32
      scf.if %cond3A_149 {
        %add3A_210 = arith.constant 320 : i32
        %add3A_211 = arith.addi %mul3A_125, %add3A_210 : i32
        %dma_start3A_212 = tpu.memref_slice %arg5[%add3A_211] : memref<25600xi32, #tpu.memory_space<vmem>> -> memref<64xi32, #tpu.memory_space<vmem>>
        %dma_start3A_213 = arith.constant 0 : i32
        %dma_start3A_214 = arith.constant 0 : i32
        %dma_start3A_215 = tpu.memref_slice %arg3[%dma_start3A_213, %dma_start3A_214] : memref<2000000x64xf32, #tpu.memory_space<hbm>> -> memref<2000000x64xf32, #tpu.memory_space<hbm>>
        tpu.enqueue_indirect_dma source(%dma_start3A_215 : memref<2000000x64xf32, #tpu.memory_space<hbm>>) target(%arg8 : memref<64x64xf32, #tpu.memory_space<vmem>>) offsets(%dma_start3A_212 : memref<64xi32, #tpu.memory_space<vmem>>) semaphore(%arg18 : memref<!tpu.dma_semaphore, #tpu.memory_space<semaphore_mem>>)
      } else {
      }
      %mul3A_150 = arith.constant 5 : i32
      %mul3A_151 = arith.muli %scan3A_63, %mul3A_150 : i32
      %add3A_152 = arith.constant 3 : i32
      %add3A_153 = arith.addi %mul3A_151, %add3A_152 : i32
      %mul3A_154 = arith.constant 64 : i32
      %mul3A_155 = arith.muli %add3A_153, %mul3A_154 : i32
      %dma_wait3A_156 = tpu.memref_slice %arg5[%mul3A_155] : memref<25600xi32, #tpu.memory_space<vmem>> -> memref<64xi32, #tpu.memory_space<vmem>>
      %dma_wait3A_157 = arith.constant 0 : i32
      %dma_wait3A_158 = arith.constant 0 : i32
      %dma_wait3A_159 = tpu.memref_slice %arg3[%dma_wait3A_157, %dma_wait3A_158] : memref<2000000x64xf32, #tpu.memory_space<hbm>> -> memref<2000000x64xf32, #tpu.memory_space<hbm>>
      tpu.wait_indirect_dma semaphore(%arg19 : memref<!tpu.dma_semaphore, #tpu.memory_space<semaphore_mem>>) src(%dma_wait3A_159 : memref<2000000x64xf32, #tpu.memory_space<hbm>>) dst(%arg9 : memref<64x64xf32, #tpu.memory_space<vmem>>)
      %gt3A_160 = arith.constant 0 : i32
      %gt3A_161 = arith.cmpi sgt, %scan3A_63, %gt3A_160 : i32
      %convert_element_type3A_162 = arith.extui %gt3A_161 : i1 to i32
      %cond3A_163 = arith.constant 0 : i32
      %cond3A_164 = arith.cmpi ne, %convert_element_type3A_162, %cond3A_163 : i32
      scf.if %cond3A_164 {
        %add3A_210 = arith.constant 0 : i32
        %add3A_211 = arith.addi %mul3A_2, %add3A_210 : i32
        %dma_wait3A_212 = arith.constant 0 : i32
        %dma_wait3A_213 = tpu.memref_slice %arg4[%add3A_211, %dma_wait3A_212] : memref<819200x128xf32, #tpu.memory_space<hbm>> -> memref<64x128xf32, #tpu.memory_space<hbm>>
        %dma_wait3A_214 = arith.constant 0 : i32
        %dma_wait3A_215 = tpu.memref_slice %arg4[%add3A_211, %dma_wait3A_214] : memref<819200x128xf32, #tpu.memory_space<hbm>> -> memref<64x128xf32, #tpu.memory_space<hbm>>
        tpu.wait_dma2 semaphore(%arg24 : memref<!tpu.dma_semaphore, #tpu.memory_space<semaphore_mem>>) src(%arg14 : memref<64x128xf32, #tpu.memory_space<vmem>>) dst(%dma_wait3A_215 : memref<64x128xf32, #tpu.memory_space<hbm>>)
      } else {
      }
      %parallel_loop3A_165 = arith.constant 0 : i32
      %parallel_loop3A_166 = arith.constant 64 : i32
      %parallel_loop3A_167 = arith.constant 1 : i32
      scf.for %parallel_loop3A_210 = %parallel_loop3A_165 to %parallel_loop3A_166 step %parallel_loop3A_167  : i32 {
        %parallel_loop3A_211 = arith.index_cast %parallel_loop3A_210 : i32 to index
        %parallel_loop3A_212 = arith.constant 0 : index
        %parallel_loop3A_213 = tpu.vector_load %arg9[%parallel_loop3A_211, %parallel_loop3A_212] {strides = array<i32>} : memref<64x64xf32, #tpu.memory_space<vmem>>, vector<16xf32>,
        %parallel_loop3A_214 = arith.constant 8.000000e+00 : f32
        %parallel_loop3A_215 = vector.broadcast %parallel_loop3A_214 : f32 to vector<16xf32>
        %parallel_loop3A_216 = arith.mulf %parallel_loop3A_213, %parallel_loop3A_215 : vector<16xf32>
        %parallel_loop3A_217 = arith.index_cast %parallel_loop3A_210 : i32 to index
        %parallel_loop3A_218 = arith.constant 0 : index
        %parallel_loop3A_219 = tpu.vector_load %arg14[%parallel_loop3A_217, %parallel_loop3A_218] {strides = array<i32>} : memref<64x128xf32, #tpu.memory_space<vmem>>, vector<16xf32>,
        tpu.vector_store %arg14[%parallel_loop3A_217, %parallel_loop3A_218], %parallel_loop3A_216 {strides = array<i32>} : memref<64x128xf32, #tpu.memory_space<vmem>>, vector<16xf32>,
        %parallel_loop3A_220 = arith.index_cast %parallel_loop3A_210 : i32 to index
        %parallel_loop3A_221 = arith.constant 16 : index
        %parallel_loop3A_222 = tpu.vector_load %arg9[%parallel_loop3A_220, %parallel_loop3A_221] {strides = array<i32>} : memref<64x64xf32, #tpu.memory_space<vmem>>, vector<16xf32>,
        %parallel_loop3A_223 = arith.constant 8.000000e+00 : f32
        %parallel_loop3A_224 = vector.broadcast %parallel_loop3A_223 : f32 to vector<16xf32>
        %parallel_loop3A_225 = arith.mulf %parallel_loop3A_222, %parallel_loop3A_224 : vector<16xf32>
        %parallel_loop3A_226 = arith.index_cast %parallel_loop3A_210 : i32 to index
        %parallel_loop3A_227 = arith.constant 16 : index
        %parallel_loop3A_228 = tpu.vector_load %arg14[%parallel_loop3A_226, %parallel_loop3A_227] {strides = array<i32>} : memref<64x128xf32, #tpu.memory_space<vmem>>, vector<16xf32>,
        tpu.vector_store %arg14[%parallel_loop3A_226, %parallel_loop3A_227], %parallel_loop3A_225 {strides = array<i32>} : memref<64x128xf32, #tpu.memory_space<vmem>>, vector<16xf32>,
        %parallel_loop3A_229 = arith.index_cast %parallel_loop3A_210 : i32 to index
        %parallel_loop3A_230 = arith.constant 32 : index
        %parallel_loop3A_231 = tpu.vector_load %arg9[%parallel_loop3A_229, %parallel_loop3A_230] {strides = array<i32>} : memref<64x64xf32, #tpu.memory_space<vmem>>, vector<16xf32>,
        %parallel_loop3A_232 = arith.constant 8.000000e+00 : f32
        %parallel_loop3A_233 = vector.broadcast %parallel_loop3A_232 : f32 to vector<16xf32>
        %parallel_loop3A_234 = arith.mulf %parallel_loop3A_231, %parallel_loop3A_233 : vector<16xf32>
        %parallel_loop3A_235 = arith.index_cast %parallel_loop3A_210 : i32 to index
        %parallel_loop3A_236 = arith.constant 32 : index
        %parallel_loop3A_237 = tpu.vector_load %arg14[%parallel_loop3A_235, %parallel_loop3A_236] {strides = array<i32>} : memref<64x128xf32, #tpu.memory_space<vmem>>, vector<16xf32>,
        tpu.vector_store %arg14[%parallel_loop3A_235, %parallel_loop3A_236], %parallel_loop3A_234 {strides = array<i32>} : memref<64x128xf32, #tpu.memory_space<vmem>>, vector<16xf32>,
        %parallel_loop3A_238 = arith.index_cast %parallel_loop3A_210 : i32 to index
        %parallel_loop3A_239 = arith.constant 48 : index
        %parallel_loop3A_240 = tpu.vector_load %arg9[%parallel_loop3A_238, %parallel_loop3A_239] {strides = array<i32>} : memref<64x64xf32, #tpu.memory_space<vmem>>, vector<16xf32>,
        %parallel_loop3A_241 = arith.constant 8.000000e+00 : f32
        %parallel_loop3A_242 = vector.broadcast %parallel_loop3A_241 : f32 to vector<16xf32>
        %parallel_loop3A_243 = arith.mulf %parallel_loop3A_240, %parallel_loop3A_242 : vector<16xf32>
        %parallel_loop3A_244 = arith.index_cast %parallel_loop3A_210 : i32 to index
        %parallel_loop3A_245 = arith.constant 48 : index
        %parallel_loop3A_246 = tpu.vector_load %arg14[%parallel_loop3A_244, %parallel_loop3A_245] {strides = array<i32>} : memref<64x128xf32, #tpu.memory_space<vmem>>, vector<16xf32>,
        tpu.vector_store %arg14[%parallel_loop3A_244, %parallel_loop3A_245], %parallel_loop3A_243 {strides = array<i32>} : memref<64x128xf32, #tpu.memory_space<vmem>>, vector<16xf32>,
      } {sc.loop_unroll_factor = 8 : i64, sc.parallel_access}
      %add3A_168 = arith.addi %mul3A_2, %mul3A_155 : i32
      %dma_start3A_169 = arith.constant 0 : i32
      %dma_start3A_170 = tpu.memref_slice %arg4[%add3A_168, %dma_start3A_169] : memref<819200x128xf32, #tpu.memory_space<hbm>> -> memref<64x128xf32, #tpu.memory_space<hbm>>
      %dma_start3A_171 = arith.constant 0 : i32
      %dma_start3A_172 = tpu.memref_slice %arg4[%add3A_168, %dma_start3A_171] : memref<819200x128xf32, #tpu.memory_space<hbm>> -> memref<64x128xf32, #tpu.memory_space<hbm>>
      tpu.enqueue_dma source(%arg14 : memref<64x128xf32, #tpu.memory_space<vmem>>) target(%dma_start3A_172 : memref<64x128xf32, #tpu.memory_space<hbm>>) target_semaphore(%arg24 : memref<!tpu.dma_semaphore, #tpu.memory_space<semaphore_mem>>)
      %add3A_173 = arith.constant 320 : i32
      %add3A_174 = arith.addi %mul3A_155, %add3A_173 : i32
      %lt3A_175 = arith.constant 25600 : i32
      %lt3A_176 = arith.cmpi slt, %add3A_174, %lt3A_175 : i32
      %convert_element_type3A_177 = arith.extui %lt3A_176 : i1 to i32
      %cond3A_178 = arith.constant 0 : i32
      %cond3A_179 = arith.cmpi ne, %convert_element_type3A_177, %cond3A_178 : i32
      scf.if %cond3A_179 {
        %add3A_210 = arith.constant 320 : i32
        %add3A_211 = arith.addi %mul3A_155, %add3A_210 : i32
        %dma_start3A_212 = tpu.memref_slice %arg5[%add3A_211] : memref<25600xi32, #tpu.memory_space<vmem>> -> memref<64xi32, #tpu.memory_space<vmem>>
        %dma_start3A_213 = arith.constant 0 : i32
        %dma_start3A_214 = arith.constant 0 : i32
        %dma_start3A_215 = tpu.memref_slice %arg3[%dma_start3A_213, %dma_start3A_214] : memref<2000000x64xf32, #tpu.memory_space<hbm>> -> memref<2000000x64xf32, #tpu.memory_space<hbm>>
        tpu.enqueue_indirect_dma source(%dma_start3A_215 : memref<2000000x64xf32, #tpu.memory_space<hbm>>) target(%arg9 : memref<64x64xf32, #tpu.memory_space<vmem>>) offsets(%dma_start3A_212 : memref<64xi32, #tpu.memory_space<vmem>>) semaphore(%arg19 : memref<!tpu.dma_semaphore, #tpu.memory_space<semaphore_mem>>)
      } else {
      }
      %mul3A_180 = arith.constant 5 : i32
      %mul3A_181 = arith.muli %scan3A_63, %mul3A_180 : i32
      %add3A_182 = arith.constant 4 : i32
      %add3A_183 = arith.addi %mul3A_181, %add3A_182 : i32
      %mul3A_184 = arith.constant 64 : i32
      %mul3A_185 = arith.muli %add3A_183, %mul3A_184 : i32
      %dma_wait3A_186 = tpu.memref_slice %arg5[%mul3A_185] : memref<25600xi32, #tpu.memory_space<vmem>> -> memref<64xi32, #tpu.memory_space<vmem>>
      %dma_wait3A_187 = arith.constant 0 : i32
      %dma_wait3A_188 = arith.constant 0 : i32
      %dma_wait3A_189 = tpu.memref_slice %arg3[%dma_wait3A_187, %dma_wait3A_188] : memref<2000000x64xf32, #tpu.memory_space<hbm>> -> memref<2000000x64xf32, #tpu.memory_space<hbm>>
      tpu.wait_indirect_dma semaphore(%arg20 : memref<!tpu.dma_semaphore, #tpu.memory_space<semaphore_mem>>) src(%dma_wait3A_189 : memref<2000000x64xf32, #tpu.memory_space<hbm>>) dst(%arg10 : memref<64x64xf32, #tpu.memory_space<vmem>>)
      %gt3A_190 = arith.constant 0 : i32
      %gt3A_191 = arith.cmpi sgt, %scan3A_63, %gt3A_190 : i32
      %convert_element_type3A_192 = arith.extui %gt3A_191 : i1 to i32
      %cond3A_193 = arith.constant 0 : i32
      %cond3A_194 = arith.cmpi ne, %convert_element_type3A_192, %cond3A_193 : i32
      scf.if %cond3A_194 {
        %add3A_210 = arith.constant 0 : i32
        %add3A_211 = arith.addi %mul3A_2, %add3A_210 : i32
        %dma_wait3A_212 = arith.constant 0 : i32
        %dma_wait3A_213 = tpu.memref_slice %arg4[%add3A_211, %dma_wait3A_212] : memref<819200x128xf32, #tpu.memory_space<hbm>> -> memref<64x128xf32, #tpu.memory_space<hbm>>
        %dma_wait3A_214 = arith.constant 0 : i32
        %dma_wait3A_215 = tpu.memref_slice %arg4[%add3A_211, %dma_wait3A_214] : memref<819200x128xf32, #tpu.memory_space<hbm>> -> memref<64x128xf32, #tpu.memory_space<hbm>>
        tpu.wait_dma2 semaphore(%arg25 : memref<!tpu.dma_semaphore, #tpu.memory_space<semaphore_mem>>) src(%arg15 : memref<64x128xf32, #tpu.memory_space<vmem>>) dst(%dma_wait3A_215 : memref<64x128xf32, #tpu.memory_space<hbm>>)
      } else {
      }
      %parallel_loop3A_195 = arith.constant 0 : i32
      %parallel_loop3A_196 = arith.constant 64 : i32
      %parallel_loop3A_197 = arith.constant 1 : i32
      scf.for %parallel_loop3A_210 = %parallel_loop3A_195 to %parallel_loop3A_196 step %parallel_loop3A_197  : i32 {
        %parallel_loop3A_211 = arith.index_cast %parallel_loop3A_210 : i32 to index
        %parallel_loop3A_212 = arith.constant 0 : index
        %parallel_loop3A_213 = tpu.vector_load %arg10[%parallel_loop3A_211, %parallel_loop3A_212] {strides = array<i32>} : memref<64x64xf32, #tpu.memory_space<vmem>>, vector<16xf32>,
        %parallel_loop3A_214 = arith.constant 8.000000e+00 : f32
        %parallel_loop3A_215 = vector.broadcast %parallel_loop3A_214 : f32 to vector<16xf32>
        %parallel_loop3A_216 = arith.mulf %parallel_loop3A_213, %parallel_loop3A_215 : vector<16xf32>
        %parallel_loop3A_217 = arith.index_cast %parallel_loop3A_210 : i32 to index
        %parallel_loop3A_218 = arith.constant 0 : index
        %parallel_loop3A_219 = tpu.vector_load %arg15[%parallel_loop3A_217, %parallel_loop3A_218] {strides = array<i32>} : memref<64x128xf32, #tpu.memory_space<vmem>>, vector<16xf32>,
        tpu.vector_store %arg15[%parallel_loop3A_217, %parallel_loop3A_218], %parallel_loop3A_216 {strides = array<i32>} : memref<64x128xf32, #tpu.memory_space<vmem>>, vector<16xf32>,
        %parallel_loop3A_220 = arith.index_cast %parallel_loop3A_210 : i32 to index
        %parallel_loop3A_221 = arith.constant 16 : index
        %parallel_loop3A_222 = tpu.vector_load %arg10[%parallel_loop3A_220, %parallel_loop3A_221] {strides = array<i32>} : memref<64x64xf32, #tpu.memory_space<vmem>>, vector<16xf32>,
        %parallel_loop3A_223 = arith.constant 8.000000e+00 : f32
        %parallel_loop3A_224 = vector.broadcast %parallel_loop3A_223 : f32 to vector<16xf32>
        %parallel_loop3A_225 = arith.mulf %parallel_loop3A_222, %parallel_loop3A_224 : vector<16xf32>
        %parallel_loop3A_226 = arith.index_cast %parallel_loop3A_210 : i32 to index
        %parallel_loop3A_227 = arith.constant 16 : index
        %parallel_loop3A_228 = tpu.vector_load %arg15[%parallel_loop3A_226, %parallel_loop3A_227] {strides = array<i32>} : memref<64x128xf32, #tpu.memory_space<vmem>>, vector<16xf32>,
        tpu.vector_store %arg15[%parallel_loop3A_226, %parallel_loop3A_227], %parallel_loop3A_225 {strides = array<i32>} : memref<64x128xf32, #tpu.memory_space<vmem>>, vector<16xf32>,
        %parallel_loop3A_229 = arith.index_cast %parallel_loop3A_210 : i32 to index
        %parallel_loop3A_230 = arith.constant 32 : index
        %parallel_loop3A_231 = tpu.vector_load %arg10[%parallel_loop3A_229, %parallel_loop3A_230] {strides = array<i32>} : memref<64x64xf32, #tpu.memory_space<vmem>>, vector<16xf32>,
        %parallel_loop3A_232 = arith.constant 8.000000e+00 : f32
        %parallel_loop3A_233 = vector.broadcast %parallel_loop3A_232 : f32 to vector<16xf32>
        %parallel_loop3A_234 = arith.mulf %parallel_loop3A_231, %parallel_loop3A_233 : vector<16xf32>
        %parallel_loop3A_235 = arith.index_cast %parallel_loop3A_210 : i32 to index
        %parallel_loop3A_236 = arith.constant 32 : index
        %parallel_loop3A_237 = tpu.vector_load %arg15[%parallel_loop3A_235, %parallel_loop3A_236] {strides = array<i32>} : memref<64x128xf32, #tpu.memory_space<vmem>>, vector<16xf32>,
        tpu.vector_store %arg15[%parallel_loop3A_235, %parallel_loop3A_236], %parallel_loop3A_234 {strides = array<i32>} : memref<64x128xf32, #tpu.memory_space<vmem>>, vector<16xf32>,
        %parallel_loop3A_238 = arith.index_cast %parallel_loop3A_210 : i32 to index
        %parallel_loop3A_239 = arith.constant 48 : index
        %parallel_loop3A_240 = tpu.vector_load %arg10[%parallel_loop3A_238, %parallel_loop3A_239] {strides = array<i32>} : memref<64x64xf32, #tpu.memory_space<vmem>>, vector<16xf32>,
        %parallel_loop3A_241 = arith.constant 8.000000e+00 : f32
        %parallel_loop3A_242 = vector.broadcast %parallel_loop3A_241 : f32 to vector<16xf32>
        %parallel_loop3A_243 = arith.mulf %parallel_loop3A_240, %parallel_loop3A_242 : vector<16xf32>
        %parallel_loop3A_244 = arith.index_cast %parallel_loop3A_210 : i32 to index
        %parallel_loop3A_245 = arith.constant 48 : index
        %parallel_loop3A_246 = tpu.vector_load %arg15[%parallel_loop3A_244, %parallel_loop3A_245] {strides = array<i32>} : memref<64x128xf32, #tpu.memory_space<vmem>>, vector<16xf32>,
        tpu.vector_store %arg15[%parallel_loop3A_244, %parallel_loop3A_245], %parallel_loop3A_243 {strides = array<i32>} : memref<64x128xf32, #tpu.memory_space<vmem>>, vector<16xf32>,
      } {sc.loop_unroll_factor = 8 : i64, sc.parallel_access}
      %add3A_198 = arith.addi %mul3A_2, %mul3A_185 : i32
      %dma_start3A_199 = arith.constant 0 : i32
      %dma_start3A_200 = tpu.memref_slice %arg4[%add3A_198, %dma_start3A_199] : memref<819200x128xf32, #tpu.memory_space<hbm>> -> memref<64x128xf32, #tpu.memory_space<hbm>>
      %dma_start3A_201 = arith.constant 0 : i32
      %dma_start3A_202 = tpu.memref_slice %arg4[%add3A_198, %dma_start3A_201] : memref<819200x128xf32, #tpu.memory_space<hbm>> -> memref<64x128xf32, #tpu.memory_space<hbm>>
      tpu.enqueue_dma source(%arg15 : memref<64x128xf32, #tpu.memory_space<vmem>>) target(%dma_start3A_202 : memref<64x128xf32, #tpu.memory_space<hbm>>) target_semaphore(%arg25 : memref<!tpu.dma_semaphore, #tpu.memory_space<semaphore_mem>>)
      %add3A_203 = arith.constant 320 : i32
      %add3A_204 = arith.addi %mul3A_185, %add3A_203 : i32
      %lt3A_205 = arith.constant 25600 : i32
      %lt3A_206 = arith.cmpi slt, %add3A_204, %lt3A_205 : i32
      %convert_element_type3A_207 = arith.extui %lt3A_206 : i1 to i32
      %cond3A_208 = arith.constant 0 : i32
      %cond3A_209 = arith.cmpi ne, %convert_element_type3A_207, %cond3A_208 : i32
      scf.if %cond3A_209 {
        %add3A_210 = arith.constant 320 : i32
        %add3A_211 = arith.addi %mul3A_185, %add3A_210 : i32
        %dma_start3A_212 = tpu.memref_slice %arg5[%add3A_211] : memref<25600xi32, #tpu.memory_space<vmem>> -> memref<64xi32, #tpu.memory_space<vmem>>
        %dma_start3A_213 = arith.constant 0 : i32
        %dma_start3A_214 = arith.constant 0 : i32
        %dma_start3A_215 = tpu.memref_slice %arg3[%dma_start3A_213, %dma_start3A_214] : memref<2000000x64xf32, #tpu.memory_space<hbm>> -> memref<2000000x64xf32, #tpu.memory_space<hbm>>
        tpu.enqueue_indirect_dma source(%dma_start3A_215 : memref<2000000x64xf32, #tpu.memory_space<hbm>>) target(%arg10 : memref<64x64xf32, #tpu.memory_space<vmem>>) offsets(%dma_start3A_212 : memref<64xi32, #tpu.memory_space<vmem>>) semaphore(%arg20 : memref<!tpu.dma_semaphore, #tpu.memory_space<semaphore_mem>>)
      } else {
      }
    }
    %scan3A_33 = arith.constant 80 : i32
    %add3A_34 = arith.constant 0 : i32
    %add3A_35 = arith.addi %mul3A_2, %add3A_34 : i32
    %dma_wait3A = arith.constant 0 : i32
    %dma_wait3A_36 = tpu.memref_slice %arg4[%add3A_35, %dma_wait3A] : memref<819200x128xf32, #tpu.memory_space<hbm>> -> memref<64x128xf32, #tpu.memory_space<hbm>>
    %dma_wait3A_37 = arith.constant 0 : i32
    %dma_wait3A_38 = tpu.memref_slice %arg4[%add3A_35, %dma_wait3A_37] : memref<819200x128xf32, #tpu.memory_space<hbm>> -> memref<64x128xf32, #tpu.memory_space<hbm>>
    tpu.wait_dma2 semaphore(%arg21 : memref<!tpu.dma_semaphore, #tpu.memory_space<semaphore_mem>>) src(%arg11 : memref<64x128xf32, #tpu.memory_space<vmem>>) dst(%dma_wait3A_38 : memref<64x128xf32, #tpu.memory_space<hbm>>)
    %add3A_39 = arith.constant 0 : i32
    %add3A_40 = arith.addi %mul3A_2, %add3A_39 : i32
    %dma_wait3A_41 = arith.constant 0 : i32
    %dma_wait3A_42 = tpu.memref_slice %arg4[%add3A_40, %dma_wait3A_41] : memref<819200x128xf32, #tpu.memory_space<hbm>> -> memref<64x128xf32, #tpu.memory_space<hbm>>
    %dma_wait3A_43 = arith.constant 0 : i32
    %dma_wait3A_44 = tpu.memref_slice %arg4[%add3A_40, %dma_wait3A_43] : memref<819200x128xf32, #tpu.memory_space<hbm>> -> memref<64x128xf32, #tpu.memory_space<hbm>>
    tpu.wait_dma2 semaphore(%arg22 : memref<!tpu.dma_semaphore, #tpu.memory_space<semaphore_mem>>) src(%arg12 : memref<64x128xf32, #tpu.memory_space<vmem>>) dst(%dma_wait3A_44 : memref<64x128xf32, #tpu.memory_space<hbm>>)
    %add3A_45 = arith.constant 0 : i32
    %add3A_46 = arith.addi %mul3A_2, %add3A_45 : i32
    %dma_wait3A_47 = arith.constant 0 : i32
    %dma_wait3A_48 = tpu.memref_slice %arg4[%add3A_46, %dma_wait3A_47] : memref<819200x128xf32, #tpu.memory_space<hbm>> -> memref<64x128xf32, #tpu.memory_space<hbm>>
    %dma_wait3A_49 = arith.constant 0 : i32
    %dma_wait3A_50 = tpu.memref_slice %arg4[%add3A_46, %dma_wait3A_49] : memref<819200x128xf32, #tpu.memory_space<hbm>> -> memref<64x128xf32, #tpu.memory_space<hbm>>
    tpu.wait_dma2 semaphore(%arg23 : memref<!tpu.dma_semaphore, #tpu.memory_space<semaphore_mem>>) src(%arg13 : memref<64x128xf32, #tpu.memory_space<vmem>>) dst(%dma_wait3A_50 : memref<64x128xf32, #tpu.memory_space<hbm>>)
    %add3A_51 = arith.constant 0 : i32
    %add3A_52 = arith.addi %mul3A_2, %add3A_51 : i32
    %dma_wait3A_53 = arith.constant 0 : i32
    %dma_wait3A_54 = tpu.memref_slice %arg4[%add3A_52, %dma_wait3A_53] : memref<819200x128xf32, #tpu.memory_space<hbm>> -> memref<64x128xf32, #tpu.memory_space<hbm>>
    %dma_wait3A_55 = arith.constant 0 : i32
    %dma_wait3A_56 = tpu.memref_slice %arg4[%add3A_52, %dma_wait3A_55] : memref<819200x128xf32, #tpu.memory_space<hbm>> -> memref<64x128xf32, #tpu.memory_space<hbm>>
    tpu.wait_dma2 semaphore(%arg24 : memref<!tpu.dma_semaphore, #tpu.memory_space<semaphore_mem>>) src(%arg14 : memref<64x128xf32, #tpu.memory_space<vmem>>) dst(%dma_wait3A_56 : memref<64x128xf32, #tpu.memory_space<hbm>>)
    %add3A_57 = arith.constant 0 : i32
    %add3A_58 = arith.addi %mul3A_2, %add3A_57 : i32
    %dma_wait3A_59 = arith.constant 0 : i32
    %dma_wait3A_60 = tpu.memref_slice %arg4[%add3A_58, %dma_wait3A_59] : memref<819200x128xf32, #tpu.memory_space<hbm>> -> memref<64x128xf32, #tpu.memory_space<hbm>>
    %dma_wait3A_61 = arith.constant 0 : i32
    %dma_wait3A_62 = tpu.memref_slice %arg4[%add3A_58, %dma_wait3A_61] : memref<819200x128xf32, #tpu.memory_space<hbm>> -> memref<64x128xf32, #tpu.memory_space<hbm>>
    tpu.wait_dma2 semaphore(%arg25 : memref<!tpu.dma_semaphore, #tpu.memory_space<semaphore_mem>>) src(%arg15 : memref<64x128xf32, #tpu.memory_space<vmem>>) dst(%dma_wait3A_62 : memref<64x128xf32, #tpu.memory_space<hbm>>)
    return
  }
}

</mosaic_0001>

<sc_bundles>
// kernel: kernel.3.cloned.1.call-start
scs
__scs_entry_jumppad:
0x0: {  	(pc) =	sbr.rel $0x88, $3  }
0x1: {  	(tag) =	ssettag $0x0;
	lr =	simm.s32 $0x1  }
0x2: {  	[smem:$0x3F9F] =	sst lr;
	_ =	strace $0xD0000000  }
0x3: {  	_ = 	snop  }
0x4: {  	_ = 	snop  }
0x5: {  	_ = 	snop  }
0x6: {  	_ = 	snop  }
0x7: {  	_ = 	snop  }
__scs_overlays_trampoline_lowered:
0x8: {  	[smem:$0x3FAE] =	sst s0  }
0x9: {  	[smem:$0x3FAF] =	sst s1  }
0xa: {  	[smem:$0x3FB0] =	sst s2  }
0xb: {  	[smem:$0x3FB1] =	sst s3  }
0xc: {  	[smem:$0x3FB2] =	sst s4  }
0xd: {  	[smem:$0x3FB3] =	sst s5  }
0xe: {  	[smem:$0x3FB4] =	sst s6  }
0xf: {  	[smem:$0x3FB5] =	sst s7  }
0x10: {  	[smem:$0x3FB6] =	sst s8  }
0x11: {  	[smem:$0x3FB7] =	sst s9;
	s0 =	simm.s32 @!p0 $0x0  }
0x12: {  	s1 =	sld [smem:$0x3F9D];
	s0 =	simm.s32 @p0 $0x1  }
0x13: {  	[smem:$0x3FB8] =	sst s0;
	s0 =	simm.s32 @!p1 $0x0  }
0x14: {  	s2 =	sld [smem:$0x3F9C];
	s0 =	simm.s32 @p1 $0x1  }
0x15: {  	[smem:$0x3FB9] =	sst s0;
	s0 =	simm.s32 @!p2 $0x0  }
0x16: {  	s3 =	sld [smem:$0x3FDB];
	s0 =	simm.s32 @p2 $0x1  }
0x17: {  	s4 =	simm.s32 $0x1BF5;
	[smem:$0x3FBB] =	sst s0  }
0x18: {  	s0 =	sld [smem:$0x3F9E];
	_ =	swait.ge [sflag:s4], $0x0  }
0x19: {  	s7 =	sld [smem:$0x3F9F]  }
0x1a: {  	s8 =	sadd.s32 $0xFFFFE003, lr  }
0x1b: {  	s9 =	sadd.s32 $0xFFFFFEF7, lr;
	s5 =	simm.s32 $0xFFFFFFFF;
	p2 =	slt.u32 s8, $0xFFFFF086  }
0x1c: {  	p1 =	slt.u32 s9, $0xF7A;
	s5 =	simm.s32 @!p2 $0x0  }
0x1d: {  	s5 =	simm.s32 @p1 $0x1;
	p0 =	seq.s32 s7, s2  }
0x1e: {  	s7 =	smul.u32 @!p0 $0xF7A, s2;
	p2 =	seq.s32 @!p0 s5, $0x0  }
0x1f: {  	s9 =	smul.u32 $0xF7A, s1;
	s8 =	simm.s32 @!p0 $0x1BF5;
	p2 =	por !p2, p0  }
0x20: {  	[sflag:s8] =	ssyncset.s32 @!p0 $0xFFFFF086;
	s6 =	sadd.s32 @!p0 s3, s7;
	s7 =	simm.s32 @!p0 $0x108  }
0x21: {  	s3 =	sadd.s32 s3, s9;
	s6 =	sadd.s32 @!p0 $0x88, s6;
	s7 =	simm.s32 @p2 $0x1082  }
0x22: {  	[simem:s7], [sflag:s8] =	dma.local @!p0 [hbm:s6], $0xF7A  }
0x23: {  	s9 =	sor.u32 $0xD0000000, s2;
	s6 =	simm.s32 $0x108;
	_ =	swait.ge @!p0 [sflag:s8], $0x0  }
0x24: {  	s3 =	sadd.s32 $0x88, s3;
	s6 =	simm.s32 @!p1 $0x1082;
	[sflag:s4] =	ssyncset.s32 $0xFFFFF086  }
0x25: {  	[simem:s6], [sflag:s4] =	dma.local [hbm:s3], $0xF7A  }
0x26: {  	[smem:$0x3F9F] =	sst s1;
	(tag) =	ssettag s2;
	_ =	strace s9  }
0x27: {  	s1 =	sld [smem:$0x3FAF]  }
0x28: {  	s2 =	sld [smem:$0x3FB0]  }
0x29: {  	s4 =	sld [smem:$0x3FB2]  }
0x2a: {  	p0 =	seq.s32 s5, $0x0;
	s5 =	sld [smem:$0x3FB3]  }
0x2b: {  	s6 =	sld [smem:$0x3FB4]  }
0x2c: {  	s7 =	sld [smem:$0x3FB5]  }
0x2d: {  	s3 =	simm.s32 $0x108;
	s8 =	sld [smem:$0x3FB6]  }
0x2e: {  	s3 =	simm.s32 @!p0 $0x1082;
	s9 =	sld [smem:$0x3FB7]  }
0x2f: {  	lr =	sadd.s32 s0, s3;
	s0 =	sld [smem:$0x3FAE]  }
0x30: {  	s3 =	sld [smem:$0x3FB1]  }
0x31: {  	[smem:$0x3FBA] =	sst s10  }
0x32: {  	s10 =	sld [smem:$0x3FB8];
	_ =	sdelay $0x3  }
0x33: {  	p0 =	seq.s32 s10, $0x1;
	s10 =	sld [smem:$0x3FBA];
	_ =	sdelay $0x3  }
0x34: {  	[smem:$0x3FBA] =	sst s10  }
0x35: {  	s10 =	sld [smem:$0x3FB9];
	_ =	sdelay $0x3  }
0x36: {  	p1 =	seq.s32 s10, $0x1;
	s10 =	sld [smem:$0x3FBA];
	_ =	sdelay $0x3  }
0x37: {  	[smem:$0x3FBA] =	sst s10  }
0x38: {  	s10 =	sld [smem:$0x3FBB]  }
0x39: {  	_ = 	snop;
	(pc) =	sbr.ind lr, $3  }
0x3a: {  	_ = 	snop  }
0x3b: {  	_ = 	snop  }
0x3c: {  	p2 =	seq.s32 s10, $0x1;
	s10 =	sld [smem:$0x3FBA]  }
0x3d: {  	_ =	shalt  }
0x3e: {  	_ =	shalt  }
0x3f: {  	_ =	shalt  }
0x40: {  	_ =	shalt  }
0x41: {  	_ =	shalt  }
0x42: {  	_ =	shalt  }
0x43: {  	_ =	shalt  }
0x44: {  	_ =	shalt  }
0x45: {  	_ =	shalt  }
0x46: {  	_ =	shalt  }
0x47: {  	_ =	shalt  }
0x48: {  	_ =	shalt  }
0x49: {  	_ =	shalt  }
0x4a: {  	_ =	shalt  }
0x4b: {  	_ =	shalt  }
0x4c: {  	_ =	shalt  }
0x4d: {  	_ =	shalt  }
0x4e: {  	_ =	shalt  }
0x4f: {  	_ =	shalt  }
0x50: {  	_ =	shalt  }
0x51: {  	_ =	shalt  }
0x52: {  	_ =	shalt  }
0x53: {  	_ =	shalt  }
0x54: {  	_ =	shalt  }
0x55: {  	_ =	shalt  }
0x56: {  	_ =	shalt  }
0x57: {  	_ =	shalt  }
0x58: {  	_ =	shalt  }
0x59: {  	_ =	shalt  }
0x5a: {  	_ =	shalt  }
0x5b: {  	_ =	shalt  }
0x5c: {  	_ =	shalt  }
0x5d: {  	_ =	shalt  }
0x5e: {  	_ =	shalt  }
0x5f: {  	_ =	shalt  }
0x60: {  	_ =	shalt  }
0x61: {  	_ =	shalt  }
0x62: {  	_ =	shalt  }
0x63: {  	_ =	shalt  }
0x64: {  	_ =	shalt  }
0x65: {  	_ =	shalt  }
0x66: {  	_ =	shalt  }
0x67: {  	_ =	shalt  }
0x68: {  	_ =	shalt  }
0x69: {  	_ =	shalt  }
0x6a: {  	_ =	shalt  }
0x6b: {  	_ =	shalt  }
0x6c: {  	_ =	shalt  }
0x6d: {  	_ =	shalt  }
0x6e: {  	_ =	shalt  }
0x6f: {  	_ =	shalt  }
0x70: {  	_ =	shalt  }
0x71: {  	_ =	shalt  }
0x72: {  	_ =	shalt  }
0x73: {  	_ =	shalt  }
0x74: {  	_ =	shalt  }
0x75: {  	_ =	shalt  }
0x76: {  	_ =	shalt  }
0x77: {  	_ =	shalt  }
0x78: {  	_ =	shalt  }
0x79: {  	_ =	shalt  }
0x7a: {  	_ =	shalt  }
0x7b: {  	_ =	shalt  }
0x7c: {  	_ =	shalt  }
0x7d: {  	_ =	shalt  }
0x7e: {  	_ =	shalt  }
0x7f: {  	_ =	shalt  }
0x80: {  	_ =	shalt  }
0x81: {  	_ =	shalt  }
0x82: {  	_ =	shalt  }
0x83: {  	_ =	shalt  }
0x84: {  	_ =	shalt  }
0x85: {  	_ =	shalt  }
0x86: {  	_ =	shalt  }
0x87: {  	_ =	shalt  }
.Lfunc_end0:
.L_simem_size_0:
called_computation.2_lowered:
.L_overlay_start_0:
0x88: {  	s2 =	sld [smem:$0x3FD9]  }
0x89: {  	s3 =	sld [smem:$0x3FFE];
	_ =	sdelay $0x1  }
0x8a: {  	s1 =	srdreg.scid  }
0x8b: {  	s0 =	sand.u32 $0x1, s1  }
0x8c: {  	s17 =	sshll.u32 s0, $0xA;
	s2 =	sadd.s32 s3, s2  }
0x8d: {  	s2 =	sadd.s32 s2, s17  }
0x8e: {  	[smem:$0x3FC6] =	sst s2  }
0x8f: {  	_ = 	snop  }
0x90: {  	s2 =	sld [smem:$0x3FD0];
	(tm) =	ssettm $0x1  }
0x91: {  	s18 =	sld [smem:$0x3FFB];
	_ =	sdelay $0x3  }
0x92: {  	_ =	strace s18  }
0x93: {  	s3 =	sld [smem:$0x3FFC];
	_ =	sdelay $0x3  }
0x94: {  	_ =	strace s3  }
0x95: {  	s3 =	sld [smem:$0x3FFD];
	_ =	sdelay $0x3  }
0x96: {  	_ =	strace s3  }
0x97: {  	_ =	strace $0x8FFFFFFF  }
0x98: {  	s19 =	sld [smem:$0x3FDB];
	_ =	sdelay $0x1  }
0x99: {  	s4 =	simm.s32 $_scs_section_size  }
0x9a: {  	s5 =	simm.s32 $_size__tile_overlayer_lowered;
	s6 =	simm.s32 $_tile_overlayer_lowered  }
0x9b: {  	s22 =	simm.s32 $0x1BFF;
	s21 =	sshll.u32 s6, $0x1;
	s3 =	sadd.s32 s4, s19  }
0x9c: {  	s7 =	simm.s32 $0x0;
	s20 =	sshll.u32 s5, $0x1;
	s5 =	sadd.s32 s21, s3  }
0x9d: {  	[timem:s7], [sflag:s22] =	dma.local [hbm:s5], s20  }
0x9e: {  	_ =	swait.ge [sflag:s22], s20  }
0x9f: {  	s4 =	ssub.s32 $0x0, s20;
	[sflag:s22] =	ssyncset.done $0x0  }
0xa0: {  	[sflag:s22] =	ssyncadd.s32 s4;
	_ =	sdelay $0x1  }
0xa1: {  	s23 =	simm.s32 $0x1B8B  }
0xa2: {  	_ =	swait.ge [sflag:s23], $0x1  }
0xa3: {  	[sflag:s23] =	ssyncset.done $0x0  }
0xa4: {  	s25 =	simm.s32 $0x1B8E;
	s24 =	sld [smem:$0x3FFE];
	[sflag:s23] =	ssyncadd.s32 $0xFFFFFFFF  }
0xa5: {  	s26 =	simm.s32 $execute0_lowered;
	[smem:$0x3FD2] =	sst s25  }
0xa6: {  	s5 =	sshll.u32 s26, $0x1;
	_ =	strace $0x80000049;
	[dreg:$0x1] =	wrdreg $0xFFFFFFFF  }
0xa7: {  	s28 =	simm.s32 $_size_execute0_lowered;
	s3 =	sadd.s32 s3, s5;
	[dreg:$0x0] =	wrdreg $0x0  }
0xa8: {  	s5 =	sshll.u32 s28, $0x1;
	[dreg:$0x2] =	wrdreg s3  }
0xa9: {  	[dreg:$0x3] =	wrdreg s5  }
0xaa: {  	[dreg:$0x4] =	wrdreg $0xC0  }
0xab: {  	_ =	task [dreg:s7], $0x5FFFF  }
0xac: {  	[dreg:$0x1] =	wrdreg $0xFFFFFFFF  }
0xad: {  	[dreg:$0x0] =	wrdreg $0x60  }
0xae: {  	[dreg:$0x2] =	wrdreg s2  }
0xaf: {  	[dreg:$0x3] =	wrdreg s24  }
0xb0: {  	[dreg:$0x4] =	wrdreg $0x9  }
0xb1: {  	_ =	task.clear_ibuf [dreg:s7], $0x5FFFF;
	_ =	strace $0x90000049  }
0xb2: {  	s29 =	simm.s32 $0x9;
	_ =	strace $0x8000004B  }
0xb3: {  	_ =	swait.ge [sflag:s29], $0x1  }
0xb4: {  	[sflag:s29] =	ssyncadd.s32 $0xFFFFFFFF  }
0xb5: {  	_ =	strace $0x9000004B  }
0xb6: {  	_ =	sfence  }
0xb7: {  	s30 =	sld [smem:$0x0];
	_ =	sdelay $0x2  }
0xb8: {  	s31 =	sshll.u32 s1, $0xD;
	s1 =	sshrl.u32 s1, $0x2  }
0xb9: {  	s3 =	sand.u32 $0x4000, s31;
	s1 =	sadd.s32 s1, s30  }
0xba: {  	s0 =	sor.u32 s3, s0;
	s1 =	sshll.u32 s1, $0x11  }
0xbb: {  	s0 =	sor.u32 s1, s0  }
0xbc: {  	s0 =	sadd.s32 $0x8F2B, s0  }
0xbd: {  	[sflag:s0] =	ssyncadd.remote.s32 $0x1  }
0xbe: {  	_ =	sfence.sel $0xFFFF  }
0xbf: {  	[dreg:$0x0] =	wrdreg $0xFFFFFFFF;
	(pc) =	sbr.abs _section_cstart, $3  }
0xc0: {  	[dreg:$0x1] =	wrdreg $0xFFFFFFFF  }
0xc1: {  	_ =	task.clear_ibuf [dreg:s7], $0x2FFFF;
	_ =	strace $0x9FFFFFFF  }
0xc2: {  	(tm) =	ssettm $0x7FFFFFFF  }
0xc3: {  	_ =	shalt  }
tec
execute0_lowered:
.L_overlay_start_1:
0x0: {  	(tag) =	ssettag $0x1  }
0x1: {  	s0 =	rddreg [dreg:$0x0]  }
0x2: {  	s1 =	srdreg.scid;
	s2 =	stileid.u32  }
0x3: {  	s5 =	rddreg [dreg:$0x1];
	s13 =	simm.s32 $0x40;
	s17 =	simm.s32 $0x8400  }
0x4: {  	s19 =	simm.s32 $0x9400;
	s21 =	simm.s32 $0xA400;
	s22 =	simm.s32 $0x1  }
0x5: {  	s23 =	simm.s32 $0xB400;
	s24 =	simm.s32 $0x2;
	s25 =	simm.s32 $0x7  }
0x6: {  	s28 =	simm.s32 $0x3;
	s29 =	simm.s32 $0x8;
	s30 =	simm.s32 $0xF400  }
0x7: {  	s31 =	simm.s32 $0x4;
	s16 =	simm.s32 $0x5;
	s18 =	simm.s32 $0xA  }
0x8: {  	s20 =	simm.s32 $0x13400;
	s11 =	simm.s32 $0x0;
	s1 =	sand.u32 $0x1, s1  }
0x9: {  	s3 =	sshll.u32 s2, $0x1;
	s2 =	simm.s32 $0x0;
	s4 =	sadd.s32 $0xF43200, s5  }
0xa: {  	s5 =	sadd.s32 $0xE00, s5;
	s3 =	sor.u32 s1, s3;
	s1 =	ssub.s32 $0x2, s1  }
0xb: {  	[smem:$0x7FF] =	sst s2;
	s3 =	smul.u32 $0x6400, s3;
	s6 =	sshrl.u32 s1, $0x1  }
.Ltmp0:
0xc: {  	_ =	strace $0x8000004A;
	s1 =	ssub.s32 s1, s6;
	(pc) =	sbr.rel .LBB2_1-.Ltmp0, $4  }
0xd: {  	s7 =	sshrl.u32 s3, $0x3;
	s8 =	sor.u32 $0x80, s3;
	s9 =	sor.u32 $0xC0, s3  }
0xe: {  	s10 =	sor.u32 $0x100, s3;
	s26 =	smax.u32 s1, $0x1;
	s1 =	simm.s32 $0x9  }
0xf: {  	s0 =	sadd.s32 s0, s7;
	s7 =	sor.u32 $0x40, s3;
	[dreg:$0x4] =	wrdreg s26  }
0x10: {  	s26 =	simm.s32 $0xD400;
	[dreg:$0x3] =	wrdreg s0;
	s0 =	simm.s32 $0x11400  }
.LBB2_32:
0x11: {  	s6 =	simm.s32 $0x6  }
0x12: {  	_ =	swait.ge [sflag:s6], $0x2000  }
0x13: {  	[sflag:s6] =	ssyncset.done $0x0  }
0x14: {  	[sflag:s6] =	ssyncadd.s32 $0xFFFFE000  }
0x15: {  	_ =	swait.ge [sflag:s25], $0x2000  }
0x16: {  	[sflag:s25] =	ssyncset.done $0x0  }
0x17: {  	[sflag:s25] =	ssyncadd.s32 $0xFFFFE000  }
0x18: {  	_ =	swait.ge [sflag:s29], $0x2000  }
0x19: {  	[sflag:s29] =	ssyncset.done $0x0  }
0x1a: {  	[sflag:s29] =	ssyncadd.s32 $0xFFFFE000  }
0x1b: {  	_ =	swait.ge [sflag:s1], $0x2000  }
0x1c: {  	[sflag:s1] =	ssyncset.done $0x0  }
0x1d: {  	[sflag:s1] =	ssyncadd.s32 $0xFFFFE000  }
0x1e: {  	_ =	swait.ge [sflag:s18], $0x2000  }
0x1f: {  	s11 =	rddreg [dreg:$0x5]  }
0x20: {  	s15 =	rddreg [dreg:$0x4];
	s11 =	sadd.s32 $0x1, s11  }
0x21: {  	p0 =	sne.s32 s11, s15  }
.Ltmp1:
0x22: {  	_ = 	snop;
	(pc) =	sbr.rel @!p0 .LBB2_33-.Ltmp1, $3  }
0x23: {  	_ =	sdelay $0x1  }
0x24: {  	[sflag:s18] =	ssyncset.done $0x0  }
0x25: {  	[sflag:s18] =	ssyncadd.s32 $0xFFFFE000  }
.LBB2_1:
0x26: {  	[dreg:$0x5] =	wrdreg s11  }
0x27: {  	s6 =	rddreg [dreg:$0x3];
	s15 =	simm.s32 $0xB  }
0x28: {  	[tilespmem:s2], [sflag:$0xB] =	stream.linear.gather [hbm4b:s6+s2], $0x6400, $0x38;
	[tilespmem:$0x15400] =	vst v63  }
0x29: {  	_ =	swait.ge [sflag:s15], $0x6400  }
0x2a: {  	[sflag:s15] =	ssyncset.done $0x0  }
0x2b: {  	[sflag:s15] =	ssyncadd.s32 $0xFFFF9C00  }
0x2c: {  	v3 =	vld [tilespmem:s13+$0x30]  }
0x2d: {  	v4 =	vld [tilespmem:s13+$0xFFFFFFD0]  }
0x2e: {  	v5 =	vld [tilespmem:s13+$0xFFFFFFE0]  }
0x2f: {  	v2 =	vld [tilespmem:s13+$0xFFFFFFF0]  }
0x30: {  	v1 =	vld [tilespmem:s13+$0x0]  }
0x31: {  	v0 =	vld [tilespmem:s13+$0x10];
	v6 =	vshll.u32 v3, $0x1  }
0x32: {  	v7 =	vshll.u32 v4, $0x1;
	v3 =	vld [tilespmem:s13+$0x20];
	[tilespmem:s13+$0x30] =	vst v6  }
0x33: {  	s11 =	simm.s32 $0x0;
	s12 =	simm.s32 $0xC0;
	s6 =	simm.s32 $0x40;
	v4 =	vld [tilespmem:s13+$0xFFFFFFC0];
	v5 =	vshll.u32 v5, $0x1;
	[tilespmem:s13+$0xFFFFFFD0] =	vst v7  }
.LBB2_2:
0x34: {  	v6 =	vld [tilespmem:s12+$0x30];
	s11 =	sadd.s32 $0x8, s11;
	[tilespmem:s6+$0xFFFFFFE0] =	vst v5;
	v2 =	vshll.u32 v2, $0x1  }
0x35: {  	v5 =	vld [tilespmem:s12+$0xFFFFFFD0];
	p0 =	slt.u32 s11, $0x638;
	[tilespmem:s6+$0xFFFFFFF0] =	vst v2;
	v1 =	vshll.u32 v1, $0x1  }
0x36: {  	v7 =	vld [tilespmem:s12+$0xFFFFFFE0];
	[tilespmem:s6+$0x0] =	vst v1;
	v0 =	vshll.u32 v0, $0x1  }
.Ltmp2:
0x37: {  	v2 =	vld [tilespmem:s12+$0xFFFFFFF0];
	[tilespmem:s6+$0x10] =	vst v0;
	v0 =	vshll.u32 v3, $0x1;
	(pc) =	sbr.rel @p0 .LBB2_2-.Ltmp2, $4  }
0x38: {  	v1 =	vld [tilespmem:s12+$0x0];
	v3 =	vshll.u32 v4, $0x1;
	[tilespmem:s6+$0x20] =	vst v0  }
0x39: {  	v0 =	vld [tilespmem:s12+$0x10];
	v4 =	vshll.u32 v6, $0x1;
	[tilespmem:s6+$0xFFFFFFC0] =	vst v3;
	s6 =	smov.u32 s12  }
0x3a: {  	v5 =	vshll.u32 v5, $0x1;
	v3 =	vld [tilespmem:s12+$0x20];
	[tilespmem:s12+$0x30] =	vst v4  }
0x3b: {  	s12 =	sadd.s32 $0x80, s12;
	v4 =	vld [tilespmem:s6+$0xFFFFFFC0];
	[tilespmem:s6+$0xFFFFFFD0] =	vst v5;
	v5 =	vshll.u32 v7, $0x1  }
0x3c: {  	[tilespmem:s6+$0xFFFFFFE0] =	vst v5;
	v2 =	vshll.u32 v2, $0x1  }
0x3d: {  	[tilespmem:s6+$0xFFFFFFF0] =	vst v2;
	v1 =	vshll.u32 v1, $0x1  }
0x3e: {  	[tilespmem:s6+$0x0] =	vst v1;
	v0 =	vshll.u32 v0, $0x1  }
0x3f: {  	[tilespmem:s6+$0x10] =	vst v0;
	v62 =	vshll.u32 v3, $0x1  }
0x40: {  	v63 =	vshll.u32 v4, $0x1;
	[tilespmem:s6+$0x20] =	vst v62  }
0x41: {  	s12 =	simm.s32 $0x0;
	s14 =	simm.s32 $0x6400;
	[tilespmem:s6+$0xFFFFFFC0] =	vst v63  }
0x42: {  	[tilespmem:s14], [sflag:$0x1] =	stream.indirect.gather [hbm4b:s4+s13], $0x40, s12, s13, $0xb8;
	[tilespmem:$0x15400] =	vst v63  }
0x43: {  	s15 =	simm.s32 $0x7400  }
0x44: {  	[tilespmem:s15], [sflag:$0x2] =	stream.indirect.gather [hbm4b:s4+s13], $0x40, s13, s13, $0xb8;
	[tilespmem:$0x15400] =	vst v63  }
0x45: {  	s11 =	simm.s32 $0x80  }
0x46: {  	[tilespmem:s17], [sflag:$0x3] =	stream.indirect.gather [hbm4b:s4+s13], $0x40, s11, s13, $0xb8;
	[tilespmem:$0x15400] =	vst v63  }
0x47: {  	s14 =	simm.s32 $0xC0  }
0x48: {  	[tilespmem:s19], [sflag:$0x4] =	stream.indirect.gather [hbm4b:s4+s13], $0x40, s14, s13, $0xb8;
	[tilespmem:$0x15400] =	vst v63  }
0x49: {  	s15 =	simm.s32 $0x100  }
0x4a: {  	[tilespmem:s21], [sflag:$0x5] =	stream.indirect.gather [hbm4b:s4+s13], $0x40, s15, s13, $0xb8;
	[tilespmem:$0x15400] =	vst v63  }
.LBB2_4:
0x4b: {  	_ =	swait.ge [sflag:s22], $0x1000  }
0x4c: {  	p0 =	seq.s32 s12, $0x0;
	[sflag:s22] =	ssyncset.done $0x0  }
0x4d: {  	s6 =	simm.s32 @!p0 $0x6;
	[sflag:s22] =	ssyncadd.s32 $0xFFFFF000  }
0x4e: {  	_ =	swait.ge @!p0 [sflag:s6], $0x2000  }
0x4f: {  	[sflag:s6] =	ssyncset.done @!p0 $0x0  }
0x50: {  	s15 =	simm.s32 $0x6500;
	[sflag:s6] =	ssyncadd.s32 @!p0 $0xFFFFE000  }
0x51: {  	v0 =	vld [tilespmem:s15+$0xC0]  }
0x52: {  	v1 =	vld [tilespmem:s15+$0xFFFFFF40]  }
0x53: {  	v2 =	vld [tilespmem:s15+$0xFFFFFF80]  }
0x54: {  	v3 =	vld [tilespmem:s15+$0xFFFFFFC0]  }
0x55: {  	v4 =	vld [tilespmem:s15+$0x0]  }
0x56: {  	v5 =	vld [tilespmem:s15+$0x40];
	v0 =	vmul.f32 $8.000000000e+00, v0  }
0x57: {  	s11 =	simm.s32 $0xB600;
	v6 =	vld [tilespmem:s15+$0x80];
	v1 =	vmul.f32 $8.000000000e+00, v1  }
0x58: {  	v7 =	vld [tilespmem:s15+$0xFFFFFF00];
	v2 =	vmul.f32 $8.000000000e+00, v2;
	[tilespmem:s11+$0x180] =	vst v0  }
0x59: {  	[tilespmem:s11+$0xFFFFFE80] =	vst v1;
	v0 =	vmul.f32 $8.000000000e+00, v3;
	v1 =	vld [tilespmem:s15+$0xD0]  }
0x5a: {  	[tilespmem:s11+$0xFFFFFF00] =	vst v2;
	v2 =	vmul.f32 $8.000000000e+00, v4;
	v3 =	vld [tilespmem:s15+$0xFFFFFF50]  }
0x5b: {  	v4 =	vld [tilespmem:s15+$0xFFFFFF90];
	[tilespmem:s11+$0xFFFFFF80] =	vst v0;
	v0 =	vmul.f32 $8.000000000e+00, v5  }
0x5c: {  	[tilespmem:s11+$0x0] =	vst v2;
	v2 =	vmul.f32 $8.000000000e+00, v6;
	v5 =	vld [tilespmem:s15+$0xFFFFFFD0]  }
0x5d: {  	v6 =	vmul.f32 $8.000000000e+00, v7;
	v7 =	vld [tilespmem:s15+$0x10];
	[tilespmem:s11+$0x80] =	vst v0  }
0x5e: {  	[tilespmem:s11+$0x100] =	vst v2;
	v0 =	vld [tilespmem:s15+$0x50];
	v1 =	vmul.f32 $8.000000000e+00, v1  }
0x5f: {  	[tilespmem:s11+$0xFFFFFE00] =	vst v6;
	v2 =	vmul.f32 $8.000000000e+00, v3;
	v3 =	vld [tilespmem:s15+$0x90]  }
0x60: {  	v6 =	vld [tilespmem:s15+$0xFFFFFF10];
	v4 =	vmul.f32 $8.000000000e+00, v4;
	[tilespmem:s11+$0x190] =	vst v1  }
0x61: {  	[tilespmem:s11+$0xFFFFFE90] =	vst v2;
	v1 =	vmul.f32 $8.000000000e+00, v5;
	v2 =	vld [tilespmem:s15+$0xE0]  }
0x62: {  	[tilespmem:s11+$0xFFFFFF10] =	vst v4;
	v4 =	vmul.f32 $8.000000000e+00, v7;
	v5 =	vld [tilespmem:s15+$0xFFFFFF60]  }
0x63: {  	v7 =	vld [tilespmem:s15+$0xFFFFFFA0];
	[tilespmem:s11+$0xFFFFFF90] =	vst v1;
	v0 =	vmul.f32 $8.000000000e+00, v0  }
0x64: {  	[tilespmem:s11+$0x10] =	vst v4;
	v1 =	vld [tilespmem:s15+$0xFFFFFFE0];
	v3 =	vmul.f32 $8.000000000e+00, v3  }
0x65: {  	v4 =	vmul.f32 $8.000000000e+00, v6;
	v6 =	vld [tilespmem:s15+$0x20];
	[tilespmem:s11+$0x90] =	vst v0  }
0x66: {  	v0 =	vld [tilespmem:s15+$0x60];
	[tilespmem:s11+$0x110] =	vst v3;
	v2 =	vmul.f32 $8.000000000e+00, v2  }
0x67: {  	[tilespmem:s11+$0xFFFFFE10] =	vst v4;
	v3 =	vmul.f32 $8.000000000e+00, v5;
	v4 =	vld [tilespmem:s15+$0xA0]  }
0x68: {  	v5 =	vld [tilespmem:s15+$0xFFFFFF20];
	v7 =	vmul.f32 $8.000000000e+00, v7;
	[tilespmem:s11+$0x1A0] =	vst v2  }
0x69: {  	[tilespmem:s11+$0xFFFFFEA0] =	vst v3;
	v1 =	vmul.f32 $8.000000000e+00, v1;
	v3 =	vld [tilespmem:s15+$0xF0]  }
0x6a: {  	[tilespmem:s11+$0xFFFFFF20] =	vst v7;
	v2 =	vmul.f32 $8.000000000e+00, v6;
	v8 =	vld [tilespmem:s15+$0xFFFFFF70]  }
0x6b: {  	v7 =	vld [tilespmem:s15+$0xFFFFFFB0];
	[tilespmem:s11+$0xFFFFFFA0] =	vst v1;
	v1 =	vmul.f32 $8.000000000e+00, v0  }
0x6c: {  	[tilespmem:s11+$0x20] =	vst v2;
	v0 =	vld [tilespmem:s15+$0xFFFFFFF0];
	v4 =	vmul.f32 $8.000000000e+00, v4  }
0x6d: {  	v5 =	vmul.f32 $8.000000000e+00, v5;
	v2 =	vld [tilespmem:s15+$0x30];
	[tilespmem:s11+$0xA0] =	vst v1  }
0x6e: {  	v1 =	vld [tilespmem:s15+$0x70];
	[tilespmem:s11+$0x120] =	vst v4;
	v9 =	vmul.f32 $8.000000000e+00, v3  }
0x6f: {  	[tilespmem:s11+$0xFFFFFE20] =	vst v5;
	v3 =	vld [tilespmem:s15+$0xB0];
	v6 =	vmul.f32 $8.000000000e+00, v8  }
0x70: {  	s14 =	simm.s32 $0x0;
	s6 =	smul.u32 $0x140, s12;
	v4 =	vld [tilespmem:s15+$0xFFFFFF30];
	v5 =	vmul.f32 $8.000000000e+00, v7;
	s15 =	simm.s32 $0x6700;
	[tilespmem:s11+$0x1B0] =	vst v9  }
.LBB2_5:
0x71: {  	v7 =	vld [tilespmem:s15+$0xC0];
	s14 =	sadd.s32 $0x8, s14;
	[tilespmem:s11+$0xFFFFFEB0] =	vst v6;
	v0 =	vmul.f32 $8.000000000e+00, v0  }
0x72: {  	v6 =	vld [tilespmem:s15+$0xFFFFFF40];
	p1 =	slt.u32 s14, $0x38;
	[tilespmem:s11+$0xFFFFFF30] =	vst v5;
	v2 =	vmul.f32 $8.000000000e+00, v2  }
0x73: {  	v5 =	vld [tilespmem:s15+$0xFFFFFF80];
	[tilespmem:s11+$0xFFFFFFB0] =	vst v0;
	v0 =	vmul.f32 $8.000000000e+00, v1  }
0x74: {  	v1 =	vld [tilespmem:s15+$0xFFFFFFC0];
	[tilespmem:s11+$0x30] =	vst v2;
	v2 =	vmul.f32 $8.000000000e+00, v3  }
0x75: {  	v3 =	vld [tilespmem:s15+$0x0];
	v4 =	vmul.f32 $8.000000000e+00, v4;
	[tilespmem:s11+$0xB0] =	vst v0  }
0x76: {  	v0 =	vld [tilespmem:s15+$0x40];
	v7 =	vmul.f32 $8.000000000e+00, v7;
	[tilespmem:s11+$0x130] =	vst v2  }
0x77: {  	v2 =	vmul.f32 $8.000000000e+00, v6;
	v6 =	vld [tilespmem:s15+$0x80];
	[tilespmem:s11+$0xFFFFFE30] =	vst v4;
	s11 =	sadd.s32 $0x400, s11  }
0x78: {  	v4 =	vld [tilespmem:s15+$0xFFFFFF00];
	v5 =	vmul.f32 $8.000000000e+00, v5;
	[tilespmem:s11+$0x180] =	vst v7  }
0x79: {  	[tilespmem:s11+$0xFFFFFE80] =	vst v2;
	v1 =	vmul.f32 $8.000000000e+00, v1;
	v2 =	vld [tilespmem:s15+$0xD0]  }
0x7a: {  	v7 =	vld [tilespmem:s15+$0xFFFFFF50];
	[tilespmem:s11+$0xFFFFFF00] =	vst v5;
	v3 =	vmul.f32 $8.000000000e+00, v3  }
0x7b: {  	v5 =	vld [tilespmem:s15+$0xFFFFFF90];
	[tilespmem:s11+$0xFFFFFF80] =	vst v1;
	v0 =	vmul.f32 $8.000000000e+00, v0  }
0x7c: {  	v1 =	vld [tilespmem:s15+$0xFFFFFFD0];
	[tilespmem:s11+$0x0] =	vst v3;
	v3 =	vmul.f32 $8.000000000e+00, v6  }
0x7d: {  	v4 =	vmul.f32 $8.000000000e+00, v4;
	v6 =	vld [tilespmem:s15+$0x10];
	[tilespmem:s11+$0x80] =	vst v0  }
0x7e: {  	v0 =	vld [tilespmem:s15+$0x50];
	[tilespmem:s11+$0x100] =	vst v3;
	v2 =	vmul.f32 $8.000000000e+00, v2  }
0x7f: {  	[tilespmem:s11+$0xFFFFFE00] =	vst v4;
	v3 =	vmul.f32 $8.000000000e+00, v7;
	v4 =	vld [tilespmem:s15+$0x90]  }
0x80: {  	v7 =	vld [tilespmem:s15+$0xFFFFFF10];
	v5 =	vmul.f32 $8.000000000e+00, v5;
	[tilespmem:s11+$0x190] =	vst v2  }
0x81: {  	[tilespmem:s11+$0xFFFFFE90] =	vst v3;
	v1 =	vmul.f32 $8.000000000e+00, v1;
	v2 =	vld [tilespmem:s15+$0xE0]  }
0x82: {  	v3 =	vld [tilespmem:s15+$0xFFFFFF60];
	[tilespmem:s11+$0xFFFFFF10] =	vst v5;
	v5 =	vmul.f32 $8.000000000e+00, v6  }
0x83: {  	v6 =	vld [tilespmem:s15+$0xFFFFFFA0];
	[tilespmem:s11+$0xFFFFFF90] =	vst v1;
	v0 =	vmul.f32 $8.000000000e+00, v0  }
0x84: {  	v1 =	vld [tilespmem:s15+$0xFFFFFFE0];
	[tilespmem:s11+$0x10] =	vst v5;
	v4 =	vmul.f32 $8.000000000e+00, v4  }
0x85: {  	v5 =	vmul.f32 $8.000000000e+00, v7;
	v7 =	vld [tilespmem:s15+$0x20];
	[tilespmem:s11+$0x90] =	vst v0  }
0x86: {  	v0 =	vld [tilespmem:s15+$0x60];
	[tilespmem:s11+$0x110] =	vst v4;
	v2 =	vmul.f32 $8.000000000e+00, v2  }
0x87: {  	[tilespmem:s11+$0xFFFFFE10] =	vst v5;
	v3 =	vmul.f32 $8.000000000e+00, v3;
	v4 =	vld [tilespmem:s15+$0xA0]  }
0x88: {  	v5 =	vld [tilespmem:s15+$0xFFFFFF20];
	v6 =	vmul.f32 $8.000000000e+00, v6;
	[tilespmem:s11+$0x1A0] =	vst v2  }
0x89: {  	[tilespmem:s11+$0xFFFFFEA0] =	vst v3;
	v1 =	vmul.f32 $8.000000000e+00, v1;
	v3 =	vld [tilespmem:s15+$0xF0]  }
0x8a: {  	v8 =	vld [tilespmem:s15+$0xFFFFFF70];
	[tilespmem:s11+$0xFFFFFF20] =	vst v6;
	v2 =	vmul.f32 $8.000000000e+00, v7  }
0x8b: {  	v7 =	vld [tilespmem:s15+$0xFFFFFFB0];
	[tilespmem:s11+$0xFFFFFFA0] =	vst v1;
	v1 =	vmul.f32 $8.000000000e+00, v0  }
.Ltmp3:
0x8c: {  	v0 =	vld [tilespmem:s15+$0xFFFFFFF0];
	[tilespmem:s11+$0x20] =	vst v2;
	v4 =	vmul.f32 $8.000000000e+00, v4;
	(pc) =	sbr.rel @p1 .LBB2_5-.Ltmp3, $4  }
0x8d: {  	v5 =	vmul.f32 $8.000000000e+00, v5;
	v2 =	vld [tilespmem:s15+$0x30];
	[tilespmem:s11+$0xA0] =	vst v1  }
0x8e: {  	v1 =	vld [tilespmem:s15+$0x70];
	[tilespmem:s11+$0x120] =	vst v4;
	v9 =	vmul.f32 $8.000000000e+00, v3  }
0x8f: {  	[tilespmem:s11+$0xFFFFFE20] =	vst v5;
	v6 =	vmul.f32 $8.000000000e+00, v8;
	v3 =	vld [tilespmem:s15+$0xB0]  }
0x90: {  	v4 =	vld [tilespmem:s15+$0xFFFFFF30];
	v5 =	vmul.f32 $8.000000000e+00, v7;
	[tilespmem:s11+$0x1B0] =	vst v9;
	s15 =	sadd.s32 $0x200, s15  }
0x91: {  	[tilespmem:s11+$0xFFFFFEB0] =	vst v6;
	v0 =	vmul.f32 $8.000000000e+00, v0  }
0x92: {  	[tilespmem:s11+$0xFFFFFF30] =	vst v5;
	v2 =	vmul.f32 $8.000000000e+00, v2  }
0x93: {  	p1 =	sne.s32 s12, $0x4F;
	[tilespmem:s11+$0xFFFFFFB0] =	vst v0;
	v61 =	vmul.f32 $8.000000000e+00, v1  }
.Ltmp4:
0x94: {  	[tilespmem:s11+$0x30] =	vst v2;
	v62 =	vmul.f32 $8.000000000e+00, v3;
	(pc) =	sbr.rel @p1 .LBB2_8-.Ltmp4, $4  }
0x95: {  	s14 =	sadd.s32 s3, s6;
	v63 =	vmul.f32 $8.000000000e+00, v4;
	[tilespmem:s11+$0xB0] =	vst v61  }
0x96: {  	s14 =	sshll.u32 s14, $0x4;
	[tilespmem:s11+$0x130] =	vst v62  }
0x97: {  	s15 =	sadd.s32 s5, s14;
	[tilespmem:s11+$0xFFFFFE30] =	vst v63  }
0x98: {  	[hbm4b:s15+s2] =	stream.linear.scatter [tilespmem:s23], [sflag:$0x6], $0x2000, $0x38;
	[tilespmem:$0x15400] =	vst v63  }
.Ltmp5:
0x99: {  	(pc) =	sbr.rel .LBB2_9-.Ltmp5, $4  }
0x9a: {  	_ = 	snop  }
0x9b: {  	_ =	swait.ge [sflag:s24], $0x1000  }
0x9c: {  	[sflag:s24] =	ssyncset.done $0x0  }
0x9d: {  	[sflag:s24] =	ssyncadd.s32 $0xFFFFF000  }
.LBB2_8:
.Ltmp6:
0x9e: {  	s11 =	sadd.s32 $0x140, s6;
	s14 =	simm.s32 $0x6400;
	(pc) =	sbr.rel @p0 .LBB2_10-.Ltmp6, $4  }
0x9f: {  	[tilespmem:s14], [sflag:$0x1] =	stream.indirect.gather [hbm4b:s4+s13], $0x40, s11, s13, $0xb8;
	[tilespmem:$0x15400] =	vst v63  }
0xa0: {  	_ =	swait.ge [sflag:s24], $0x1000  }
0xa1: {  	[sflag:s24] =	ssyncset.done $0x0  }
0xa2: {  	[sflag:s24] =	ssyncadd.s32 $0xFFFFF000  }
.LBB2_9:
0xa3: {  	_ =	swait.ge [sflag:s25], $0x2000  }
0xa4: {  	[sflag:s25] =	ssyncset.done $0x0  }
0xa5: {  	[sflag:s25] =	ssyncadd.s32 $0xFFFFE000  }
.LBB2_10:
0xa6: {  	s15 =	simm.s32 $0x7500  }
0xa7: {  	v0 =	vld [tilespmem:s15+$0xC0]  }
0xa8: {  	v1 =	vld [tilespmem:s15+$0xFFFFFF40]  }
0xa9: {  	v2 =	vld [tilespmem:s15+$0xFFFFFF80]  }
0xaa: {  	v3 =	vld [tilespmem:s15+$0xFFFFFFC0]  }
0xab: {  	v4 =	vld [tilespmem:s15+$0x0]  }
0xac: {  	v5 =	vld [tilespmem:s15+$0x40];
	v0 =	vmul.f32 $8.000000000e+00, v0  }
0xad: {  	s11 =	simm.s32 $0xD600;
	v6 =	vld [tilespmem:s15+$0x80];
	v1 =	vmul.f32 $8.000000000e+00, v1  }
0xae: {  	v7 =	vld [tilespmem:s15+$0xFFFFFF00];
	v2 =	vmul.f32 $8.000000000e+00, v2;
	[tilespmem:s11+$0x180] =	vst v0  }
0xaf: {  	[tilespmem:s11+$0xFFFFFE80] =	vst v1;
	v0 =	vmul.f32 $8.000000000e+00, v3;
	v1 =	vld [tilespmem:s15+$0xD0]  }
0xb0: {  	[tilespmem:s11+$0xFFFFFF00] =	vst v2;
	v2 =	vmul.f32 $8.000000000e+00, v4;
	v3 =	vld [tilespmem:s15+$0xFFFFFF50]  }
0xb1: {  	v4 =	vld [tilespmem:s15+$0xFFFFFF90];
	[tilespmem:s11+$0xFFFFFF80] =	vst v0;
	v0 =	vmul.f32 $8.000000000e+00, v5  }
0xb2: {  	[tilespmem:s11+$0x0] =	vst v2;
	v2 =	vmul.f32 $8.000000000e+00, v6;
	v5 =	vld [tilespmem:s15+$0xFFFFFFD0]  }
0xb3: {  	v6 =	vmul.f32 $8.000000000e+00, v7;
	v7 =	vld [tilespmem:s15+$0x10];
	[tilespmem:s11+$0x80] =	vst v0  }
0xb4: {  	[tilespmem:s11+$0x100] =	vst v2;
	v0 =	vld [tilespmem:s15+$0x50];
	v1 =	vmul.f32 $8.000000000e+00, v1  }
0xb5: {  	[tilespmem:s11+$0xFFFFFE00] =	vst v6;
	v2 =	vmul.f32 $8.000000000e+00, v3;
	v3 =	vld [tilespmem:s15+$0x90]  }
0xb6: {  	v6 =	vld [tilespmem:s15+$0xFFFFFF10];
	v4 =	vmul.f32 $8.000000000e+00, v4;
	[tilespmem:s11+$0x190] =	vst v1  }
0xb7: {  	[tilespmem:s11+$0xFFFFFE90] =	vst v2;
	v1 =	vmul.f32 $8.000000000e+00, v5;
	v2 =	vld [tilespmem:s15+$0xE0]  }
0xb8: {  	[tilespmem:s11+$0xFFFFFF10] =	vst v4;
	v4 =	vmul.f32 $8.000000000e+00, v7;
	v5 =	vld [tilespmem:s15+$0xFFFFFF60]  }
0xb9: {  	v7 =	vld [tilespmem:s15+$0xFFFFFFA0];
	[tilespmem:s11+$0xFFFFFF90] =	vst v1;
	v0 =	vmul.f32 $8.000000000e+00, v0  }
0xba: {  	[tilespmem:s11+$0x10] =	vst v4;
	v1 =	vld [tilespmem:s15+$0xFFFFFFE0];
	v3 =	vmul.f32 $8.000000000e+00, v3  }
0xbb: {  	v4 =	vmul.f32 $8.000000000e+00, v6;
	v6 =	vld [tilespmem:s15+$0x20];
	[tilespmem:s11+$0x90] =	vst v0  }
0xbc: {  	v0 =	vld [tilespmem:s15+$0x60];
	[tilespmem:s11+$0x110] =	vst v3;
	v2 =	vmul.f32 $8.000000000e+00, v2  }
0xbd: {  	[tilespmem:s11+$0xFFFFFE10] =	vst v4;
	v3 =	vmul.f32 $8.000000000e+00, v5;
	v4 =	vld [tilespmem:s15+$0xA0]  }
0xbe: {  	v5 =	vld [tilespmem:s15+$0xFFFFFF20];
	v7 =	vmul.f32 $8.000000000e+00, v7;
	[tilespmem:s11+$0x1A0] =	vst v2  }
0xbf: {  	[tilespmem:s11+$0xFFFFFEA0] =	vst v3;
	v1 =	vmul.f32 $8.000000000e+00, v1;
	v3 =	vld [tilespmem:s15+$0xF0]  }
0xc0: {  	[tilespmem:s11+$0xFFFFFF20] =	vst v7;
	v2 =	vmul.f32 $8.000000000e+00, v6;
	v8 =	vld [tilespmem:s15+$0xFFFFFF70]  }
0xc1: {  	v7 =	vld [tilespmem:s15+$0xFFFFFFB0];
	[tilespmem:s11+$0xFFFFFFA0] =	vst v1;
	v1 =	vmul.f32 $8.000000000e+00, v0  }
0xc2: {  	[tilespmem:s11+$0x20] =	vst v2;
	v0 =	vld [tilespmem:s15+$0xFFFFFFF0];
	v4 =	vmul.f32 $8.000000000e+00, v4  }
0xc3: {  	v5 =	vmul.f32 $8.000000000e+00, v5;
	v2 =	vld [tilespmem:s15+$0x30];
	[tilespmem:s11+$0xA0] =	vst v1  }
0xc4: {  	v1 =	vld [tilespmem:s15+$0x70];
	[tilespmem:s11+$0x120] =	vst v4;
	v9 =	vmul.f32 $8.000000000e+00, v3  }
0xc5: {  	[tilespmem:s11+$0xFFFFFE20] =	vst v5;
	v3 =	vld [tilespmem:s15+$0xB0];
	v6 =	vmul.f32 $8.000000000e+00, v8  }
0xc6: {  	s14 =	simm.s32 $0x0;
	v4 =	vld [tilespmem:s15+$0xFFFFFF30];
	v5 =	vmul.f32 $8.000000000e+00, v7;
	s15 =	simm.s32 $0x7700;
	[tilespmem:s11+$0x1B0] =	vst v9  }
.LBB2_11:
0xc7: {  	v7 =	vld [tilespmem:s15+$0xC0];
	s14 =	sadd.s32 $0x8, s14;
	[tilespmem:s11+$0xFFFFFEB0] =	vst v6;
	v0 =	vmul.f32 $8.000000000e+00, v0  }
0xc8: {  	v6 =	vld [tilespmem:s15+$0xFFFFFF40];
	p2 =	slt.u32 s14, $0x38;
	[tilespmem:s11+$0xFFFFFF30] =	vst v5;
	v2 =	vmul.f32 $8.000000000e+00, v2  }
0xc9: {  	v5 =	vld [tilespmem:s15+$0xFFFFFF80];
	[tilespmem:s11+$0xFFFFFFB0] =	vst v0;
	v0 =	vmul.f32 $8.000000000e+00, v1  }
0xca: {  	v1 =	vld [tilespmem:s15+$0xFFFFFFC0];
	[tilespmem:s11+$0x30] =	vst v2;
	v2 =	vmul.f32 $8.000000000e+00, v3  }
0xcb: {  	v3 =	vld [tilespmem:s15+$0x0];
	v4 =	vmul.f32 $8.000000000e+00, v4;
	[tilespmem:s11+$0xB0] =	vst v0  }
0xcc: {  	v0 =	vld [tilespmem:s15+$0x40];
	v7 =	vmul.f32 $8.000000000e+00, v7;
	[tilespmem:s11+$0x130] =	vst v2  }
0xcd: {  	v2 =	vmul.f32 $8.000000000e+00, v6;
	v6 =	vld [tilespmem:s15+$0x80];
	[tilespmem:s11+$0xFFFFFE30] =	vst v4;
	s11 =	sadd.s32 $0x400, s11  }
0xce: {  	v4 =	vld [tilespmem:s15+$0xFFFFFF00];
	v5 =	vmul.f32 $8.000000000e+00, v5;
	[tilespmem:s11+$0x180] =	vst v7  }
0xcf: {  	[tilespmem:s11+$0xFFFFFE80] =	vst v2;
	v1 =	vmul.f32 $8.000000000e+00, v1;
	v2 =	vld [tilespmem:s15+$0xD0]  }
0xd0: {  	v7 =	vld [tilespmem:s15+$0xFFFFFF50];
	[tilespmem:s11+$0xFFFFFF00] =	vst v5;
	v3 =	vmul.f32 $8.000000000e+00, v3  }
0xd1: {  	v5 =	vld [tilespmem:s15+$0xFFFFFF90];
	[tilespmem:s11+$0xFFFFFF80] =	vst v1;
	v0 =	vmul.f32 $8.000000000e+00, v0  }
0xd2: {  	v1 =	vld [tilespmem:s15+$0xFFFFFFD0];
	[tilespmem:s11+$0x0] =	vst v3;
	v3 =	vmul.f32 $8.000000000e+00, v6  }
0xd3: {  	v4 =	vmul.f32 $8.000000000e+00, v4;
	v6 =	vld [tilespmem:s15+$0x10];
	[tilespmem:s11+$0x80] =	vst v0  }
0xd4: {  	v0 =	vld [tilespmem:s15+$0x50];
	[tilespmem:s11+$0x100] =	vst v3;
	v2 =	vmul.f32 $8.000000000e+00, v2  }
0xd5: {  	[tilespmem:s11+$0xFFFFFE00] =	vst v4;
	v3 =	vmul.f32 $8.000000000e+00, v7;
	v4 =	vld [tilespmem:s15+$0x90]  }
0xd6: {  	v7 =	vld [tilespmem:s15+$0xFFFFFF10];
	v5 =	vmul.f32 $8.000000000e+00, v5;
	[tilespmem:s11+$0x190] =	vst v2  }
0xd7: {  	[tilespmem:s11+$0xFFFFFE90] =	vst v3;
	v1 =	vmul.f32 $8.000000000e+00, v1;
	v2 =	vld [tilespmem:s15+$0xE0]  }
0xd8: {  	v3 =	vld [tilespmem:s15+$0xFFFFFF60];
	[tilespmem:s11+$0xFFFFFF10] =	vst v5;
	v5 =	vmul.f32 $8.000000000e+00, v6  }
0xd9: {  	v6 =	vld [tilespmem:s15+$0xFFFFFFA0];
	[tilespmem:s11+$0xFFFFFF90] =	vst v1;
	v0 =	vmul.f32 $8.000000000e+00, v0  }
0xda: {  	v1 =	vld [tilespmem:s15+$0xFFFFFFE0];
	[tilespmem:s11+$0x10] =	vst v5;
	v4 =	vmul.f32 $8.000000000e+00, v4  }
0xdb: {  	v5 =	vmul.f32 $8.000000000e+00, v7;
	v7 =	vld [tilespmem:s15+$0x20];
	[tilespmem:s11+$0x90] =	vst v0  }
0xdc: {  	v0 =	vld [tilespmem:s15+$0x60];
	[tilespmem:s11+$0x110] =	vst v4;
	v2 =	vmul.f32 $8.000000000e+00, v2  }
0xdd: {  	[tilespmem:s11+$0xFFFFFE10] =	vst v5;
	v3 =	vmul.f32 $8.000000000e+00, v3;
	v4 =	vld [tilespmem:s15+$0xA0]  }
0xde: {  	v5 =	vld [tilespmem:s15+$0xFFFFFF20];
	v6 =	vmul.f32 $8.000000000e+00, v6;
	[tilespmem:s11+$0x1A0] =	vst v2  }
0xdf: {  	[tilespmem:s11+$0xFFFFFEA0] =	vst v3;
	v1 =	vmul.f32 $8.000000000e+00, v1;
	v3 =	vld [tilespmem:s15+$0xF0]  }
0xe0: {  	v8 =	vld [tilespmem:s15+$0xFFFFFF70];
	[tilespmem:s11+$0xFFFFFF20] =	vst v6;
	v2 =	vmul.f32 $8.000000000e+00, v7  }
0xe1: {  	v7 =	vld [tilespmem:s15+$0xFFFFFFB0];
	[tilespmem:s11+$0xFFFFFFA0] =	vst v1;
	v1 =	vmul.f32 $8.000000000e+00, v0  }
.Ltmp7:
0xe2: {  	v0 =	vld [tilespmem:s15+$0xFFFFFFF0];
	[tilespmem:s11+$0x20] =	vst v2;
	v4 =	vmul.f32 $8.000000000e+00, v4;
	(pc) =	sbr.rel @p2 .LBB2_11-.Ltmp7, $4  }
0xe3: {  	v5 =	vmul.f32 $8.000000000e+00, v5;
	v2 =	vld [tilespmem:s15+$0x30];
	[tilespmem:s11+$0xA0] =	vst v1  }
0xe4: {  	v1 =	vld [tilespmem:s15+$0x70];
	[tilespmem:s11+$0x120] =	vst v4;
	v9 =	vmul.f32 $8.000000000e+00, v3  }
0xe5: {  	[tilespmem:s11+$0xFFFFFE20] =	vst v5;
	v6 =	vmul.f32 $8.000000000e+00, v8;
	v3 =	vld [tilespmem:s15+$0xB0]  }
0xe6: {  	v4 =	vld [tilespmem:s15+$0xFFFFFF30];
	v5 =	vmul.f32 $8.000000000e+00, v7;
	[tilespmem:s11+$0x1B0] =	vst v9;
	s15 =	sadd.s32 $0x200, s15  }
0xe7: {  	[tilespmem:s11+$0xFFFFFEB0] =	vst v6;
	v0 =	vmul.f32 $8.000000000e+00, v0  }
0xe8: {  	[tilespmem:s11+$0xFFFFFF30] =	vst v5;
	v2 =	vmul.f32 $8.000000000e+00, v2  }
0xe9: {  	[tilespmem:s11+$0xFFFFFFB0] =	vst v0;
	v61 =	vmul.f32 $8.000000000e+00, v1  }
.Ltmp8:
0xea: {  	s14 =	sadd.s32 s6, s7;
	[tilespmem:s11+$0x30] =	vst v2;
	v62 =	vmul.f32 $8.000000000e+00, v3;
	(pc) =	sbr.rel @p1 .LBB2_14-.Ltmp8, $4  }
0xeb: {  	s14 =	sshll.u32 s14, $0x4;
	v63 =	vmul.f32 $8.000000000e+00, v4;
	[tilespmem:s11+$0xB0] =	vst v61  }
0xec: {  	s14 =	sand.u32 $0x1FFFFC00, s14;
	[tilespmem:s11+$0x130] =	vst v62  }
0xed: {  	s15 =	sadd.s32 s5, s14;
	[tilespmem:s11+$0xFFFFFE30] =	vst v63  }
0xee: {  	[hbm4b:s15+s2] =	stream.linear.scatter [tilespmem:s26], [sflag:$0x7], $0x2000, $0x38;
	[tilespmem:$0x15400] =	vst v63  }
.Ltmp9:
0xef: {  	(pc) =	sbr.rel .LBB2_15-.Ltmp9, $4  }
0xf0: {  	_ = 	snop  }
0xf1: {  	_ =	swait.ge [sflag:s28], $0x1000  }
0xf2: {  	[sflag:s28] =	ssyncset.done $0x0  }
0xf3: {  	[sflag:s28] =	ssyncadd.s32 $0xFFFFF000  }
.LBB2_14:
.Ltmp10:
0xf4: {  	s11 =	sadd.s32 $0x180, s6;
	s14 =	simm.s32 $0x7400;
	(pc) =	sbr.rel @p0 .LBB2_16-.Ltmp10, $4  }
0xf5: {  	[tilespmem:s14], [sflag:$0x2] =	stream.indirect.gather [hbm4b:s4+s13], $0x40, s11, s13, $0xb8;
	[tilespmem:$0x15400] =	vst v63  }
0xf6: {  	_ =	swait.ge [sflag:s28], $0x1000  }
0xf7: {  	[sflag:s28] =	ssyncset.done $0x0  }
0xf8: {  	[sflag:s28] =	ssyncadd.s32 $0xFFFFF000  }
.LBB2_15:
0xf9: {  	_ =	swait.ge [sflag:s29], $0x2000  }
0xfa: {  	[sflag:s29] =	ssyncset.done $0x0  }
0xfb: {  	[sflag:s29] =	ssyncadd.s32 $0xFFFFE000  }
.LBB2_16:
0xfc: {  	s15 =	simm.s32 $0x8500  }
0xfd: {  	v0 =	vld [tilespmem:s15+$0xC0]  }
0xfe: {  	v1 =	vld [tilespmem:s15+$0xFFFFFF40]  }
0xff: {  	v2 =	vld [tilespmem:s15+$0xFFFFFF80]  }
0x100: {  	v3 =	vld [tilespmem:s15+$0xFFFFFFC0]  }
0x101: {  	v4 =	vld [tilespmem:s15+$0x0]  }
0x102: {  	v5 =	vld [tilespmem:s15+$0x40];
	v0 =	vmul.f32 $8.000000000e+00, v0  }
0x103: {  	s11 =	simm.s32 $0xF600;
	v6 =	vld [tilespmem:s15+$0x80];
	v1 =	vmul.f32 $8.000000000e+00, v1  }
0x104: {  	v7 =	vld [tilespmem:s15+$0xFFFFFF00];
	v2 =	vmul.f32 $8.000000000e+00, v2;
	[tilespmem:s11+$0x180] =	vst v0  }
0x105: {  	[tilespmem:s11+$0xFFFFFE80] =	vst v1;
	v0 =	vmul.f32 $8.000000000e+00, v3;
	v1 =	vld [tilespmem:s15+$0xD0]  }
0x106: {  	[tilespmem:s11+$0xFFFFFF00] =	vst v2;
	v2 =	vmul.f32 $8.000000000e+00, v4;
	v3 =	vld [tilespmem:s15+$0xFFFFFF50]  }
0x107: {  	v4 =	vld [tilespmem:s15+$0xFFFFFF90];
	[tilespmem:s11+$0xFFFFFF80] =	vst v0;
	v0 =	vmul.f32 $8.000000000e+00, v5  }
0x108: {  	[tilespmem:s11+$0x0] =	vst v2;
	v2 =	vmul.f32 $8.000000000e+00, v6;
	v5 =	vld [tilespmem:s15+$0xFFFFFFD0]  }
0x109: {  	v6 =	vmul.f32 $8.000000000e+00, v7;
	v7 =	vld [tilespmem:s15+$0x10];
	[tilespmem:s11+$0x80] =	vst v0  }
0x10a: {  	[tilespmem:s11+$0x100] =	vst v2;
	v0 =	vld [tilespmem:s15+$0x50];
	v1 =	vmul.f32 $8.000000000e+00, v1  }
0x10b: {  	[tilespmem:s11+$0xFFFFFE00] =	vst v6;
	v2 =	vmul.f32 $8.000000000e+00, v3;
	v3 =	vld [tilespmem:s15+$0x90]  }
0x10c: {  	v6 =	vld [tilespmem:s15+$0xFFFFFF10];
	v4 =	vmul.f32 $8.000000000e+00, v4;
	[tilespmem:s11+$0x190] =	vst v1  }
0x10d: {  	[tilespmem:s11+$0xFFFFFE90] =	vst v2;
	v1 =	vmul.f32 $8.000000000e+00, v5;
	v2 =	vld [tilespmem:s15+$0xE0]  }
0x10e: {  	[tilespmem:s11+$0xFFFFFF10] =	vst v4;
	v4 =	vmul.f32 $8.000000000e+00, v7;
	v5 =	vld [tilespmem:s15+$0xFFFFFF60]  }
0x10f: {  	v7 =	vld [tilespmem:s15+$0xFFFFFFA0];
	[tilespmem:s11+$0xFFFFFF90] =	vst v1;
	v0 =	vmul.f32 $8.000000000e+00, v0  }
0x110: {  	[tilespmem:s11+$0x10] =	vst v4;
	v1 =	vld [tilespmem:s15+$0xFFFFFFE0];
	v3 =	vmul.f32 $8.000000000e+00, v3  }
0x111: {  	v4 =	vmul.f32 $8.000000000e+00, v6;
	v6 =	vld [tilespmem:s15+$0x20];
	[tilespmem:s11+$0x90] =	vst v0  }
0x112: {  	v0 =	vld [tilespmem:s15+$0x60];
	[tilespmem:s11+$0x110] =	vst v3;
	v2 =	vmul.f32 $8.000000000e+00, v2  }
0x113: {  	[tilespmem:s11+$0xFFFFFE10] =	vst v4;
	v3 =	vmul.f32 $8.000000000e+00, v5;
	v4 =	vld [tilespmem:s15+$0xA0]  }
0x114: {  	v5 =	vld [tilespmem:s15+$0xFFFFFF20];
	v7 =	vmul.f32 $8.000000000e+00, v7;
	[tilespmem:s11+$0x1A0] =	vst v2  }
0x115: {  	[tilespmem:s11+$0xFFFFFEA0] =	vst v3;
	v1 =	vmul.f32 $8.000000000e+00, v1;
	v3 =	vld [tilespmem:s15+$0xF0]  }
0x116: {  	[tilespmem:s11+$0xFFFFFF20] =	vst v7;
	v2 =	vmul.f32 $8.000000000e+00, v6;
	v8 =	vld [tilespmem:s15+$0xFFFFFF70]  }
0x117: {  	v7 =	vld [tilespmem:s15+$0xFFFFFFB0];
	[tilespmem:s11+$0xFFFFFFA0] =	vst v1;
	v1 =	vmul.f32 $8.000000000e+00, v0  }
0x118: {  	[tilespmem:s11+$0x20] =	vst v2;
	v0 =	vld [tilespmem:s15+$0xFFFFFFF0];
	v4 =	vmul.f32 $8.000000000e+00, v4  }
0x119: {  	v5 =	vmul.f32 $8.000000000e+00, v5;
	v2 =	vld [tilespmem:s15+$0x30];
	[tilespmem:s11+$0xA0] =	vst v1  }
0x11a: {  	v1 =	vld [tilespmem:s15+$0x70];
	[tilespmem:s11+$0x120] =	vst v4;
	v9 =	vmul.f32 $8.000000000e+00, v3  }
0x11b: {  	[tilespmem:s11+$0xFFFFFE20] =	vst v5;
	v3 =	vld [tilespmem:s15+$0xB0];
	v6 =	vmul.f32 $8.000000000e+00, v8  }
0x11c: {  	s14 =	simm.s32 $0x0;
	v4 =	vld [tilespmem:s15+$0xFFFFFF30];
	v5 =	vmul.f32 $8.000000000e+00, v7;
	s15 =	simm.s32 $0x8700;
	[tilespmem:s11+$0x1B0] =	vst v9  }
.LBB2_17:
0x11d: {  	v7 =	vld [tilespmem:s15+$0xC0];
	s14 =	sadd.s32 $0x8, s14;
	[tilespmem:s11+$0xFFFFFEB0] =	vst v6;
	v0 =	vmul.f32 $8.000000000e+00, v0  }
0x11e: {  	v6 =	vld [tilespmem:s15+$0xFFFFFF40];
	p2 =	slt.u32 s14, $0x38;
	[tilespmem:s11+$0xFFFFFF30] =	vst v5;
	v2 =	vmul.f32 $8.000000000e+00, v2  }
0x11f: {  	v5 =	vld [tilespmem:s15+$0xFFFFFF80];
	[tilespmem:s11+$0xFFFFFFB0] =	vst v0;
	v0 =	vmul.f32 $8.000000000e+00, v1  }
0x120: {  	v1 =	vld [tilespmem:s15+$0xFFFFFFC0];
	[tilespmem:s11+$0x30] =	vst v2;
	v2 =	vmul.f32 $8.000000000e+00, v3  }
0x121: {  	v3 =	vld [tilespmem:s15+$0x0];
	v4 =	vmul.f32 $8.000000000e+00, v4;
	[tilespmem:s11+$0xB0] =	vst v0  }
0x122: {  	v0 =	vld [tilespmem:s15+$0x40];
	v7 =	vmul.f32 $8.000000000e+00, v7;
	[tilespmem:s11+$0x130] =	vst v2  }
0x123: {  	v2 =	vmul.f32 $8.000000000e+00, v6;
	v6 =	vld [tilespmem:s15+$0x80];
	[tilespmem:s11+$0xFFFFFE30] =	vst v4;
	s11 =	sadd.s32 $0x400, s11  }
0x124: {  	v4 =	vld [tilespmem:s15+$0xFFFFFF00];
	v5 =	vmul.f32 $8.000000000e+00, v5;
	[tilespmem:s11+$0x180] =	vst v7  }
0x125: {  	[tilespmem:s11+$0xFFFFFE80] =	vst v2;
	v1 =	vmul.f32 $8.000000000e+00, v1;
	v2 =	vld [tilespmem:s15+$0xD0]  }
0x126: {  	v7 =	vld [tilespmem:s15+$0xFFFFFF50];
	[tilespmem:s11+$0xFFFFFF00] =	vst v5;
	v3 =	vmul.f32 $8.000000000e+00, v3  }
0x127: {  	v5 =	vld [tilespmem:s15+$0xFFFFFF90];
	[tilespmem:s11+$0xFFFFFF80] =	vst v1;
	v0 =	vmul.f32 $8.000000000e+00, v0  }
0x128: {  	v1 =	vld [tilespmem:s15+$0xFFFFFFD0];
	[tilespmem:s11+$0x0] =	vst v3;
	v3 =	vmul.f32 $8.000000000e+00, v6  }
0x129: {  	v4 =	vmul.f32 $8.000000000e+00, v4;
	v6 =	vld [tilespmem:s15+$0x10];
	[tilespmem:s11+$0x80] =	vst v0  }
0x12a: {  	v0 =	vld [tilespmem:s15+$0x50];
	[tilespmem:s11+$0x100] =	vst v3;
	v2 =	vmul.f32 $8.000000000e+00, v2  }
0x12b: {  	[tilespmem:s11+$0xFFFFFE00] =	vst v4;
	v3 =	vmul.f32 $8.000000000e+00, v7;
	v4 =	vld [tilespmem:s15+$0x90]  }
0x12c: {  	v7 =	vld [tilespmem:s15+$0xFFFFFF10];
	v5 =	vmul.f32 $8.000000000e+00, v5;
	[tilespmem:s11+$0x190] =	vst v2  }
0x12d: {  	[tilespmem:s11+$0xFFFFFE90] =	vst v3;
	v1 =	vmul.f32 $8.000000000e+00, v1;
	v2 =	vld [tilespmem:s15+$0xE0]  }
0x12e: {  	v3 =	vld [tilespmem:s15+$0xFFFFFF60];
	[tilespmem:s11+$0xFFFFFF10] =	vst v5;
	v5 =	vmul.f32 $8.000000000e+00, v6  }
0x12f: {  	v6 =	vld [tilespmem:s15+$0xFFFFFFA0];
	[tilespmem:s11+$0xFFFFFF90] =	vst v1;
	v0 =	vmul.f32 $8.000000000e+00, v0  }
0x130: {  	v1 =	vld [tilespmem:s15+$0xFFFFFFE0];
	[tilespmem:s11+$0x10] =	vst v5;
	v4 =	vmul.f32 $8.000000000e+00, v4  }
0x131: {  	v5 =	vmul.f32 $8.000000000e+00, v7;
	v7 =	vld [tilespmem:s15+$0x20];
	[tilespmem:s11+$0x90] =	vst v0  }
0x132: {  	v0 =	vld [tilespmem:s15+$0x60];
	[tilespmem:s11+$0x110] =	vst v4;
	v2 =	vmul.f32 $8.000000000e+00, v2  }
0x133: {  	[tilespmem:s11+$0xFFFFFE10] =	vst v5;
	v3 =	vmul.f32 $8.000000000e+00, v3;
	v4 =	vld [tilespmem:s15+$0xA0]  }
0x134: {  	v5 =	vld [tilespmem:s15+$0xFFFFFF20];
	v6 =	vmul.f32 $8.000000000e+00, v6;
	[tilespmem:s11+$0x1A0] =	vst v2  }
0x135: {  	[tilespmem:s11+$0xFFFFFEA0] =	vst v3;
	v1 =	vmul.f32 $8.000000000e+00, v1;
	v3 =	vld [tilespmem:s15+$0xF0]  }
0x136: {  	v8 =	vld [tilespmem:s15+$0xFFFFFF70];
	[tilespmem:s11+$0xFFFFFF20] =	vst v6;
	v2 =	vmul.f32 $8.000000000e+00, v7  }
0x137: {  	v7 =	vld [tilespmem:s15+$0xFFFFFFB0];
	[tilespmem:s11+$0xFFFFFFA0] =	vst v1;
	v1 =	vmul.f32 $8.000000000e+00, v0  }
.Ltmp11:
0x138: {  	v0 =	vld [tilespmem:s15+$0xFFFFFFF0];
	[tilespmem:s11+$0x20] =	vst v2;
	v4 =	vmul.f32 $8.000000000e+00, v4;
	(pc) =	sbr.rel @p2 .LBB2_17-.Ltmp11, $4  }
0x139: {  	v5 =	vmul.f32 $8.000000000e+00, v5;
	v2 =	vld [tilespmem:s15+$0x30];
	[tilespmem:s11+$0xA0] =	vst v1  }
0x13a: {  	v1 =	vld [tilespmem:s15+$0x70];
	[tilespmem:s11+$0x120] =	vst v4;
	v9 =	vmul.f32 $8.000000000e+00, v3  }
0x13b: {  	[tilespmem:s11+$0xFFFFFE20] =	vst v5;
	v6 =	vmul.f32 $8.000000000e+00, v8;
	v3 =	vld [tilespmem:s15+$0xB0]  }
0x13c: {  	v4 =	vld [tilespmem:s15+$0xFFFFFF30];
	v5 =	vmul.f32 $8.000000000e+00, v7;
	[tilespmem:s11+$0x1B0] =	vst v9;
	s15 =	sadd.s32 $0x200, s15  }
0x13d: {  	[tilespmem:s11+$0xFFFFFEB0] =	vst v6;
	v0 =	vmul.f32 $8.000000000e+00, v0  }
0x13e: {  	[tilespmem:s11+$0xFFFFFF30] =	vst v5;
	v2 =	vmul.f32 $8.000000000e+00, v2  }
0x13f: {  	[tilespmem:s11+$0xFFFFFFB0] =	vst v0;
	v61 =	vmul.f32 $8.000000000e+00, v1  }
.Ltmp12:
0x140: {  	s14 =	sadd.s32 s6, s8;
	[tilespmem:s11+$0x30] =	vst v2;
	v62 =	vmul.f32 $8.000000000e+00, v3;
	(pc) =	sbr.rel @p1 .LBB2_20-.Ltmp12, $4  }
0x141: {  	s14 =	sshll.u32 s14, $0x4;
	v63 =	vmul.f32 $8.000000000e+00, v4;
	[tilespmem:s11+$0xB0] =	vst v61  }
0x142: {  	s14 =	sand.u32 $0x1FFFFC00, s14;
	[tilespmem:s11+$0x130] =	vst v62  }
0x143: {  	s15 =	sadd.s32 s5, s14;
	[tilespmem:s11+$0xFFFFFE30] =	vst v63  }
0x144: {  	[hbm4b:s15+s2] =	stream.linear.scatter [tilespmem:s30], [sflag:$0x8], $0x2000, $0x38;
	[tilespmem:$0x15400] =	vst v63  }
.Ltmp13:
0x145: {  	(pc) =	sbr.rel .LBB2_21-.Ltmp13, $4  }
0x146: {  	_ = 	snop  }
0x147: {  	_ =	swait.ge [sflag:s31], $0x1000  }
0x148: {  	[sflag:s31] =	ssyncset.done $0x0  }
0x149: {  	[sflag:s31] =	ssyncadd.s32 $0xFFFFF000  }
.LBB2_20:
.Ltmp14:
0x14a: {  	s11 =	sadd.s32 $0x1C0, s6;
	(pc) =	sbr.rel @p0 .LBB2_22-.Ltmp14, $4  }
0x14b: {  	[tilespmem:s17], [sflag:$0x3] =	stream.indirect.gather [hbm4b:s4+s13], $0x40, s11, s13, $0xb8;
	[tilespmem:$0x15400] =	vst v63  }
0x14c: {  	_ =	swait.ge [sflag:s31], $0x1000  }
0x14d: {  	[sflag:s31] =	ssyncset.done $0x0  }
0x14e: {  	[sflag:s31] =	ssyncadd.s32 $0xFFFFF000  }
.LBB2_21:
0x14f: {  	_ =	swait.ge [sflag:s1], $0x2000  }
0x150: {  	[sflag:s1] =	ssyncset.done $0x0  }
0x151: {  	[sflag:s1] =	ssyncadd.s32 $0xFFFFE000  }
.LBB2_22:
0x152: {  	s15 =	simm.s32 $0x9500  }
0x153: {  	v0 =	vld [tilespmem:s15+$0xC0]  }
0x154: {  	v1 =	vld [tilespmem:s15+$0xFFFFFF40]  }
0x155: {  	v2 =	vld [tilespmem:s15+$0xFFFFFF80]  }
0x156: {  	v3 =	vld [tilespmem:s15+$0xFFFFFFC0]  }
0x157: {  	v4 =	vld [tilespmem:s15+$0x0]  }
0x158: {  	v5 =	vld [tilespmem:s15+$0x40];
	v0 =	vmul.f32 $8.000000000e+00, v0  }
0x159: {  	s11 =	simm.s32 $0x11600;
	v6 =	vld [tilespmem:s15+$0x80];
	v1 =	vmul.f32 $8.000000000e+00, v1  }
0x15a: {  	v7 =	vld [tilespmem:s15+$0xFFFFFF00];
	v2 =	vmul.f32 $8.000000000e+00, v2;
	[tilespmem:s11+$0x180] =	vst v0  }
0x15b: {  	[tilespmem:s11+$0xFFFFFE80] =	vst v1;
	v0 =	vmul.f32 $8.000000000e+00, v3;
	v1 =	vld [tilespmem:s15+$0xD0]  }
0x15c: {  	[tilespmem:s11+$0xFFFFFF00] =	vst v2;
	v2 =	vmul.f32 $8.000000000e+00, v4;
	v3 =	vld [tilespmem:s15+$0xFFFFFF50]  }
0x15d: {  	v4 =	vld [tilespmem:s15+$0xFFFFFF90];
	[tilespmem:s11+$0xFFFFFF80] =	vst v0;
	v0 =	vmul.f32 $8.000000000e+00, v5  }
0x15e: {  	[tilespmem:s11+$0x0] =	vst v2;
	v2 =	vmul.f32 $8.000000000e+00, v6;
	v5 =	vld [tilespmem:s15+$0xFFFFFFD0]  }
0x15f: {  	v6 =	vmul.f32 $8.000000000e+00, v7;
	v7 =	vld [tilespmem:s15+$0x10];
	[tilespmem:s11+$0x80] =	vst v0  }
0x160: {  	[tilespmem:s11+$0x100] =	vst v2;
	v0 =	vld [tilespmem:s15+$0x50];
	v1 =	vmul.f32 $8.000000000e+00, v1  }
0x161: {  	[tilespmem:s11+$0xFFFFFE00] =	vst v6;
	v2 =	vmul.f32 $8.000000000e+00, v3;
	v3 =	vld [tilespmem:s15+$0x90]  }
0x162: {  	v6 =	vld [tilespmem:s15+$0xFFFFFF10];
	v4 =	vmul.f32 $8.000000000e+00, v4;
	[tilespmem:s11+$0x190] =	vst v1  }
0x163: {  	[tilespmem:s11+$0xFFFFFE90] =	vst v2;
	v1 =	vmul.f32 $8.000000000e+00, v5;
	v2 =	vld [tilespmem:s15+$0xE0]  }
0x164: {  	[tilespmem:s11+$0xFFFFFF10] =	vst v4;
	v4 =	vmul.f32 $8.000000000e+00, v7;
	v5 =	vld [tilespmem:s15+$0xFFFFFF60]  }
0x165: {  	v7 =	vld [tilespmem:s15+$0xFFFFFFA0];
	[tilespmem:s11+$0xFFFFFF90] =	vst v1;
	v0 =	vmul.f32 $8.000000000e+00, v0  }
0x166: {  	[tilespmem:s11+$0x10] =	vst v4;
	v1 =	vld [tilespmem:s15+$0xFFFFFFE0];
	v3 =	vmul.f32 $8.000000000e+00, v3  }
0x167: {  	v4 =	vmul.f32 $8.000000000e+00, v6;
	v6 =	vld [tilespmem:s15+$0x20];
	[tilespmem:s11+$0x90] =	vst v0  }
0x168: {  	v0 =	vld [tilespmem:s15+$0x60];
	[tilespmem:s11+$0x110] =	vst v3;
	v2 =	vmul.f32 $8.000000000e+00, v2  }
0x169: {  	[tilespmem:s11+$0xFFFFFE10] =	vst v4;
	v3 =	vmul.f32 $8.000000000e+00, v5;
	v4 =	vld [tilespmem:s15+$0xA0]  }
0x16a: {  	v5 =	vld [tilespmem:s15+$0xFFFFFF20];
	v7 =	vmul.f32 $8.000000000e+00, v7;
	[tilespmem:s11+$0x1A0] =	vst v2  }
0x16b: {  	[tilespmem:s11+$0xFFFFFEA0] =	vst v3;
	v1 =	vmul.f32 $8.000000000e+00, v1;
	v3 =	vld [tilespmem:s15+$0xF0]  }
0x16c: {  	[tilespmem:s11+$0xFFFFFF20] =	vst v7;
	v2 =	vmul.f32 $8.000000000e+00, v6;
	v8 =	vld [tilespmem:s15+$0xFFFFFF70]  }
0x16d: {  	v7 =	vld [tilespmem:s15+$0xFFFFFFB0];
	[tilespmem:s11+$0xFFFFFFA0] =	vst v1;
	v1 =	vmul.f32 $8.000000000e+00, v0  }
0x16e: {  	[tilespmem:s11+$0x20] =	vst v2;
	v0 =	vld [tilespmem:s15+$0xFFFFFFF0];
	v4 =	vmul.f32 $8.000000000e+00, v4  }
0x16f: {  	v5 =	vmul.f32 $8.000000000e+00, v5;
	v2 =	vld [tilespmem:s15+$0x30];
	[tilespmem:s11+$0xA0] =	vst v1  }
0x170: {  	v1 =	vld [tilespmem:s15+$0x70];
	[tilespmem:s11+$0x120] =	vst v4;
	v9 =	vmul.f32 $8.000000000e+00, v3  }
0x171: {  	[tilespmem:s11+$0xFFFFFE20] =	vst v5;
	v3 =	vld [tilespmem:s15+$0xB0];
	v6 =	vmul.f32 $8.000000000e+00, v8  }
0x172: {  	s14 =	simm.s32 $0x0;
	v4 =	vld [tilespmem:s15+$0xFFFFFF30];
	v5 =	vmul.f32 $8.000000000e+00, v7;
	s15 =	simm.s32 $0x9700;
	[tilespmem:s11+$0x1B0] =	vst v9  }
.LBB2_23:
0x173: {  	v7 =	vld [tilespmem:s15+$0xC0];
	s14 =	sadd.s32 $0x8, s14;
	[tilespmem:s11+$0xFFFFFEB0] =	vst v6;
	v0 =	vmul.f32 $8.000000000e+00, v0  }
0x174: {  	v6 =	vld [tilespmem:s15+$0xFFFFFF40];
	p2 =	slt.u32 s14, $0x38;
	[tilespmem:s11+$0xFFFFFF30] =	vst v5;
	v2 =	vmul.f32 $8.000000000e+00, v2  }
0x175: {  	v5 =	vld [tilespmem:s15+$0xFFFFFF80];
	[tilespmem:s11+$0xFFFFFFB0] =	vst v0;
	v0 =	vmul.f32 $8.000000000e+00, v1  }
0x176: {  	v1 =	vld [tilespmem:s15+$0xFFFFFFC0];
	[tilespmem:s11+$0x30] =	vst v2;
	v2 =	vmul.f32 $8.000000000e+00, v3  }
0x177: {  	v3 =	vld [tilespmem:s15+$0x0];
	v4 =	vmul.f32 $8.000000000e+00, v4;
	[tilespmem:s11+$0xB0] =	vst v0  }
0x178: {  	v0 =	vld [tilespmem:s15+$0x40];
	v7 =	vmul.f32 $8.000000000e+00, v7;
	[tilespmem:s11+$0x130] =	vst v2  }
0x179: {  	v2 =	vmul.f32 $8.000000000e+00, v6;
	v6 =	vld [tilespmem:s15+$0x80];
	[tilespmem:s11+$0xFFFFFE30] =	vst v4;
	s11 =	sadd.s32 $0x400, s11  }
0x17a: {  	v4 =	vld [tilespmem:s15+$0xFFFFFF00];
	v5 =	vmul.f32 $8.000000000e+00, v5;
	[tilespmem:s11+$0x180] =	vst v7  }
0x17b: {  	[tilespmem:s11+$0xFFFFFE80] =	vst v2;
	v1 =	vmul.f32 $8.000000000e+00, v1;
	v2 =	vld [tilespmem:s15+$0xD0]  }
0x17c: {  	v7 =	vld [tilespmem:s15+$0xFFFFFF50];
	[tilespmem:s11+$0xFFFFFF00] =	vst v5;
	v3 =	vmul.f32 $8.000000000e+00, v3  }
0x17d: {  	v5 =	vld [tilespmem:s15+$0xFFFFFF90];
	[tilespmem:s11+$0xFFFFFF80] =	vst v1;
	v0 =	vmul.f32 $8.000000000e+00, v0  }
0x17e: {  	v1 =	vld [tilespmem:s15+$0xFFFFFFD0];
	[tilespmem:s11+$0x0] =	vst v3;
	v3 =	vmul.f32 $8.000000000e+00, v6  }
0x17f: {  	v4 =	vmul.f32 $8.000000000e+00, v4;
	v6 =	vld [tilespmem:s15+$0x10];
	[tilespmem:s11+$0x80] =	vst v0  }
0x180: {  	v0 =	vld [tilespmem:s15+$0x50];
	[tilespmem:s11+$0x100] =	vst v3;
	v2 =	vmul.f32 $8.000000000e+00, v2  }
0x181: {  	[tilespmem:s11+$0xFFFFFE00] =	vst v4;
	v3 =	vmul.f32 $8.000000000e+00, v7;
	v4 =	vld [tilespmem:s15+$0x90]  }
0x182: {  	v7 =	vld [tilespmem:s15+$0xFFFFFF10];
	v5 =	vmul.f32 $8.000000000e+00, v5;
	[tilespmem:s11+$0x190] =	vst v2  }
0x183: {  	[tilespmem:s11+$0xFFFFFE90] =	vst v3;
	v1 =	vmul.f32 $8.000000000e+00, v1;
	v2 =	vld [tilespmem:s15+$0xE0]  }
0x184: {  	v3 =	vld [tilespmem:s15+$0xFFFFFF60];
	[tilespmem:s11+$0xFFFFFF10] =	vst v5;
	v5 =	vmul.f32 $8.000000000e+00, v6  }
0x185: {  	v6 =	vld [tilespmem:s15+$0xFFFFFFA0];
	[tilespmem:s11+$0xFFFFFF90] =	vst v1;
	v0 =	vmul.f32 $8.000000000e+00, v0  }
0x186: {  	v1 =	vld [tilespmem:s15+$0xFFFFFFE0];
	[tilespmem:s11+$0x10] =	vst v5;
	v4 =	vmul.f32 $8.000000000e+00, v4  }
0x187: {  	v5 =	vmul.f32 $8.000000000e+00, v7;
	v7 =	vld [tilespmem:s15+$0x20];
	[tilespmem:s11+$0x90] =	vst v0  }
0x188: {  	v0 =	vld [tilespmem:s15+$0x60];
	[tilespmem:s11+$0x110] =	vst v4;
	v2 =	vmul.f32 $8.000000000e+00, v2  }
0x189: {  	[tilespmem:s11+$0xFFFFFE10] =	vst v5;
	v3 =	vmul.f32 $8.000000000e+00, v3;
	v4 =	vld [tilespmem:s15+$0xA0]  }
0x18a: {  	v5 =	vld [tilespmem:s15+$0xFFFFFF20];
	v6 =	vmul.f32 $8.000000000e+00, v6;
	[tilespmem:s11+$0x1A0] =	vst v2  }
0x18b: {  	[tilespmem:s11+$0xFFFFFEA0] =	vst v3;
	v1 =	vmul.f32 $8.000000000e+00, v1;
	v3 =	vld [tilespmem:s15+$0xF0]  }
0x18c: {  	v8 =	vld [tilespmem:s15+$0xFFFFFF70];
	[tilespmem:s11+$0xFFFFFF20] =	vst v6;
	v2 =	vmul.f32 $8.000000000e+00, v7  }
0x18d: {  	v7 =	vld [tilespmem:s15+$0xFFFFFFB0];
	[tilespmem:s11+$0xFFFFFFA0] =	vst v1;
	v1 =	vmul.f32 $8.000000000e+00, v0  }
.Ltmp15:
0x18e: {  	v0 =	vld [tilespmem:s15+$0xFFFFFFF0];
	[tilespmem:s11+$0x20] =	vst v2;
	v4 =	vmul.f32 $8.000000000e+00, v4;
	(pc) =	sbr.rel @p2 .LBB2_23-.Ltmp15, $4  }
0x18f: {  	v5 =	vmul.f32 $8.000000000e+00, v5;
	v2 =	vld [tilespmem:s15+$0x30];
	[tilespmem:s11+$0xA0] =	vst v1  }
0x190: {  	v1 =	vld [tilespmem:s15+$0x70];
	[tilespmem:s11+$0x120] =	vst v4;
	v9 =	vmul.f32 $8.000000000e+00, v3  }
0x191: {  	[tilespmem:s11+$0xFFFFFE20] =	vst v5;
	v6 =	vmul.f32 $8.000000000e+00, v8;
	v3 =	vld [tilespmem:s15+$0xB0]  }
0x192: {  	v4 =	vld [tilespmem:s15+$0xFFFFFF30];
	v5 =	vmul.f32 $8.000000000e+00, v7;
	[tilespmem:s11+$0x1B0] =	vst v9;
	s15 =	sadd.s32 $0x200, s15  }
0x193: {  	[tilespmem:s11+$0xFFFFFEB0] =	vst v6;
	v0 =	vmul.f32 $8.000000000e+00, v0  }
0x194: {  	[tilespmem:s11+$0xFFFFFF30] =	vst v5;
	v2 =	vmul.f32 $8.000000000e+00, v2  }
0x195: {  	[tilespmem:s11+$0xFFFFFFB0] =	vst v0;
	v61 =	vmul.f32 $8.000000000e+00, v1  }
.Ltmp16:
0x196: {  	s14 =	sadd.s32 s6, s9;
	[tilespmem:s11+$0x30] =	vst v2;
	v62 =	vmul.f32 $8.000000000e+00, v3;
	(pc) =	sbr.rel @p1 .LBB2_26-.Ltmp16, $4  }
0x197: {  	s14 =	sshll.u32 s14, $0x4;
	v63 =	vmul.f32 $8.000000000e+00, v4;
	[tilespmem:s11+$0xB0] =	vst v61  }
0x198: {  	s14 =	sand.u32 $0x1FFFFC00, s14;
	[tilespmem:s11+$0x130] =	vst v62  }
0x199: {  	s15 =	sadd.s32 s5, s14;
	[tilespmem:s11+$0xFFFFFE30] =	vst v63  }
0x19a: {  	[hbm4b:s15+s2] =	stream.linear.scatter [tilespmem:s0], [sflag:$0x9], $0x2000, $0x38;
	[tilespmem:$0x15400] =	vst v63  }
.Ltmp17:
0x19b: {  	(pc) =	sbr.rel .LBB2_27-.Ltmp17, $4  }
0x19c: {  	_ = 	snop  }
0x19d: {  	_ =	swait.ge [sflag:s16], $0x1000  }
0x19e: {  	[sflag:s16] =	ssyncset.done $0x0  }
0x19f: {  	[sflag:s16] =	ssyncadd.s32 $0xFFFFF000  }
.LBB2_26:
.Ltmp18:
0x1a0: {  	s11 =	sadd.s32 $0x200, s6;
	(pc) =	sbr.rel @p0 .LBB2_28-.Ltmp18, $4  }
0x1a1: {  	[tilespmem:s19], [sflag:$0x4] =	stream.indirect.gather [hbm4b:s4+s13], $0x40, s11, s13, $0xb8;
	[tilespmem:$0x15400] =	vst v63  }
0x1a2: {  	_ =	swait.ge [sflag:s16], $0x1000  }
0x1a3: {  	[sflag:s16] =	ssyncset.done $0x0  }
0x1a4: {  	[sflag:s16] =	ssyncadd.s32 $0xFFFFF000  }
.LBB2_27:
0x1a5: {  	_ =	swait.ge [sflag:s18], $0x2000  }
0x1a6: {  	[sflag:s18] =	ssyncset.done $0x0  }
0x1a7: {  	[sflag:s18] =	ssyncadd.s32 $0xFFFFE000  }
.LBB2_28:
0x1a8: {  	s15 =	simm.s32 $0xA500  }
0x1a9: {  	v0 =	vld [tilespmem:s15+$0xC0]  }
0x1aa: {  	v1 =	vld [tilespmem:s15+$0xFFFFFF40]  }
0x1ab: {  	v2 =	vld [tilespmem:s15+$0xFFFFFF80]  }
0x1ac: {  	v3 =	vld [tilespmem:s15+$0xFFFFFFC0]  }
0x1ad: {  	v4 =	vld [tilespmem:s15+$0x0]  }
0x1ae: {  	v5 =	vld [tilespmem:s15+$0x40];
	v0 =	vmul.f32 $8.000000000e+00, v0  }
0x1af: {  	s11 =	simm.s32 $0x13600;
	v6 =	vld [tilespmem:s15+$0x80];
	v1 =	vmul.f32 $8.000000000e+00, v1  }
0x1b0: {  	v7 =	vld [tilespmem:s15+$0xFFFFFF00];
	v2 =	vmul.f32 $8.000000000e+00, v2;
	[tilespmem:s11+$0x180] =	vst v0  }
0x1b1: {  	[tilespmem:s11+$0xFFFFFE80] =	vst v1;
	v0 =	vmul.f32 $8.000000000e+00, v3;
	v1 =	vld [tilespmem:s15+$0xD0]  }
0x1b2: {  	[tilespmem:s11+$0xFFFFFF00] =	vst v2;
	v2 =	vmul.f32 $8.000000000e+00, v4;
	v3 =	vld [tilespmem:s15+$0xFFFFFF50]  }
0x1b3: {  	v4 =	vld [tilespmem:s15+$0xFFFFFF90];
	[tilespmem:s11+$0xFFFFFF80] =	vst v0;
	v0 =	vmul.f32 $8.000000000e+00, v5  }
0x1b4: {  	[tilespmem:s11+$0x0] =	vst v2;
	v2 =	vmul.f32 $8.000000000e+00, v6;
	v5 =	vld [tilespmem:s15+$0xFFFFFFD0]  }
0x1b5: {  	v6 =	vmul.f32 $8.000000000e+00, v7;
	v7 =	vld [tilespmem:s15+$0x10];
	[tilespmem:s11+$0x80] =	vst v0  }
0x1b6: {  	[tilespmem:s11+$0x100] =	vst v2;
	v0 =	vld [tilespmem:s15+$0x50];
	v1 =	vmul.f32 $8.000000000e+00, v1  }
0x1b7: {  	[tilespmem:s11+$0xFFFFFE00] =	vst v6;
	v2 =	vmul.f32 $8.000000000e+00, v3;
	v3 =	vld [tilespmem:s15+$0x90]  }
0x1b8: {  	v6 =	vld [tilespmem:s15+$0xFFFFFF10];
	v4 =	vmul.f32 $8.000000000e+00, v4;
	[tilespmem:s11+$0x190] =	vst v1  }
0x1b9: {  	[tilespmem:s11+$0xFFFFFE90] =	vst v2;
	v1 =	vmul.f32 $8.000000000e+00, v5;
	v2 =	vld [tilespmem:s15+$0xE0]  }
0x1ba: {  	[tilespmem:s11+$0xFFFFFF10] =	vst v4;
	v4 =	vmul.f32 $8.000000000e+00, v7;
	v5 =	vld [tilespmem:s15+$0xFFFFFF60]  }
0x1bb: {  	v7 =	vld [tilespmem:s15+$0xFFFFFFA0];
	[tilespmem:s11+$0xFFFFFF90] =	vst v1;
	v0 =	vmul.f32 $8.000000000e+00, v0  }
0x1bc: {  	[tilespmem:s11+$0x10] =	vst v4;
	v1 =	vld [tilespmem:s15+$0xFFFFFFE0];
	v3 =	vmul.f32 $8.000000000e+00, v3  }
0x1bd: {  	v4 =	vmul.f32 $8.000000000e+00, v6;
	v6 =	vld [tilespmem:s15+$0x20];
	[tilespmem:s11+$0x90] =	vst v0  }
0x1be: {  	v0 =	vld [tilespmem:s15+$0x60];
	[tilespmem:s11+$0x110] =	vst v3;
	v2 =	vmul.f32 $8.000000000e+00, v2  }
0x1bf: {  	[tilespmem:s11+$0xFFFFFE10] =	vst v4;
	v3 =	vmul.f32 $8.000000000e+00, v5;
	v4 =	vld [tilespmem:s15+$0xA0]  }
0x1c0: {  	v5 =	vld [tilespmem:s15+$0xFFFFFF20];
	v7 =	vmul.f32 $8.000000000e+00, v7;
	[tilespmem:s11+$0x1A0] =	vst v2  }
0x1c1: {  	[tilespmem:s11+$0xFFFFFEA0] =	vst v3;
	v1 =	vmul.f32 $8.000000000e+00, v1;
	v3 =	vld [tilespmem:s15+$0xF0]  }
0x1c2: {  	[tilespmem:s11+$0xFFFFFF20] =	vst v7;
	v2 =	vmul.f32 $8.000000000e+00, v6;
	v8 =	vld [tilespmem:s15+$0xFFFFFF70]  }
0x1c3: {  	v7 =	vld [tilespmem:s15+$0xFFFFFFB0];
	[tilespmem:s11+$0xFFFFFFA0] =	vst v1;
	v1 =	vmul.f32 $8.000000000e+00, v0  }
0x1c4: {  	[tilespmem:s11+$0x20] =	vst v2;
	v0 =	vld [tilespmem:s15+$0xFFFFFFF0];
	v4 =	vmul.f32 $8.000000000e+00, v4  }
0x1c5: {  	v5 =	vmul.f32 $8.000000000e+00, v5;
	v2 =	vld [tilespmem:s15+$0x30];
	[tilespmem:s11+$0xA0] =	vst v1  }
0x1c6: {  	v1 =	vld [tilespmem:s15+$0x70];
	[tilespmem:s11+$0x120] =	vst v4;
	v9 =	vmul.f32 $8.000000000e+00, v3  }
0x1c7: {  	[tilespmem:s11+$0xFFFFFE20] =	vst v5;
	v3 =	vld [tilespmem:s15+$0xB0];
	v6 =	vmul.f32 $8.000000000e+00, v8  }
0x1c8: {  	s14 =	simm.s32 $0x0;
	v4 =	vld [tilespmem:s15+$0xFFFFFF30];
	v5 =	vmul.f32 $8.000000000e+00, v7;
	s15 =	simm.s32 $0xA700;
	[tilespmem:s11+$0x1B0] =	vst v9  }
.LBB2_29:
0x1c9: {  	v7 =	vld [tilespmem:s15+$0xC0];
	s14 =	sadd.s32 $0x8, s14;
	[tilespmem:s11+$0xFFFFFEB0] =	vst v6;
	v0 =	vmul.f32 $8.000000000e+00, v0  }
0x1ca: {  	v6 =	vld [tilespmem:s15+$0xFFFFFF40];
	p0 =	slt.u32 s14, $0x38;
	[tilespmem:s11+$0xFFFFFF30] =	vst v5;
	v2 =	vmul.f32 $8.000000000e+00, v2  }
0x1cb: {  	v5 =	vld [tilespmem:s15+$0xFFFFFF80];
	[tilespmem:s11+$0xFFFFFFB0] =	vst v0;
	v0 =	vmul.f32 $8.000000000e+00, v1  }
0x1cc: {  	v1 =	vld [tilespmem:s15+$0xFFFFFFC0];
	[tilespmem:s11+$0x30] =	vst v2;
	v2 =	vmul.f32 $8.000000000e+00, v3  }
0x1cd: {  	v3 =	vld [tilespmem:s15+$0x0];
	v4 =	vmul.f32 $8.000000000e+00, v4;
	[tilespmem:s11+$0xB0] =	vst v0  }
0x1ce: {  	v0 =	vld [tilespmem:s15+$0x40];
	v7 =	vmul.f32 $8.000000000e+00, v7;
	[tilespmem:s11+$0x130] =	vst v2  }
0x1cf: {  	v2 =	vmul.f32 $8.000000000e+00, v6;
	v6 =	vld [tilespmem:s15+$0x80];
	[tilespmem:s11+$0xFFFFFE30] =	vst v4;
	s11 =	sadd.s32 $0x400, s11  }
0x1d0: {  	v4 =	vld [tilespmem:s15+$0xFFFFFF00];
	v5 =	vmul.f32 $8.000000000e+00, v5;
	[tilespmem:s11+$0x180] =	vst v7  }
0x1d1: {  	[tilespmem:s11+$0xFFFFFE80] =	vst v2;
	v1 =	vmul.f32 $8.000000000e+00, v1;
	v2 =	vld [tilespmem:s15+$0xD0]  }
0x1d2: {  	v7 =	vld [tilespmem:s15+$0xFFFFFF50];
	[tilespmem:s11+$0xFFFFFF00] =	vst v5;
	v3 =	vmul.f32 $8.000000000e+00, v3  }
0x1d3: {  	v5 =	vld [tilespmem:s15+$0xFFFFFF90];
	[tilespmem:s11+$0xFFFFFF80] =	vst v1;
	v0 =	vmul.f32 $8.000000000e+00, v0  }
0x1d4: {  	v1 =	vld [tilespmem:s15+$0xFFFFFFD0];
	[tilespmem:s11+$0x0] =	vst v3;
	v3 =	vmul.f32 $8.000000000e+00, v6  }
0x1d5: {  	v4 =	vmul.f32 $8.000000000e+00, v4;
	v6 =	vld [tilespmem:s15+$0x10];
	[tilespmem:s11+$0x80] =	vst v0  }
0x1d6: {  	v0 =	vld [tilespmem:s15+$0x50];
	[tilespmem:s11+$0x100] =	vst v3;
	v2 =	vmul.f32 $8.000000000e+00, v2  }
0x1d7: {  	[tilespmem:s11+$0xFFFFFE00] =	vst v4;
	v3 =	vmul.f32 $8.000000000e+00, v7;
	v4 =	vld [tilespmem:s15+$0x90]  }
0x1d8: {  	v7 =	vld [tilespmem:s15+$0xFFFFFF10];
	v5 =	vmul.f32 $8.000000000e+00, v5;
	[tilespmem:s11+$0x190] =	vst v2  }
0x1d9: {  	[tilespmem:s11+$0xFFFFFE90] =	vst v3;
	v1 =	vmul.f32 $8.000000000e+00, v1;
	v2 =	vld [tilespmem:s15+$0xE0]  }
0x1da: {  	v3 =	vld [tilespmem:s15+$0xFFFFFF60];
	[tilespmem:s11+$0xFFFFFF10] =	vst v5;
	v5 =	vmul.f32 $8.000000000e+00, v6  }
0x1db: {  	v6 =	vld [tilespmem:s15+$0xFFFFFFA0];
	[tilespmem:s11+$0xFFFFFF90] =	vst v1;
	v0 =	vmul.f32 $8.000000000e+00, v0  }
0x1dc: {  	v1 =	vld [tilespmem:s15+$0xFFFFFFE0];
	[tilespmem:s11+$0x10] =	vst v5;
	v4 =	vmul.f32 $8.000000000e+00, v4  }
0x1dd: {  	v5 =	vmul.f32 $8.000000000e+00, v7;
	v7 =	vld [tilespmem:s15+$0x20];
	[tilespmem:s11+$0x90] =	vst v0  }
0x1de: {  	v0 =	vld [tilespmem:s15+$0x60];
	[tilespmem:s11+$0x110] =	vst v4;
	v2 =	vmul.f32 $8.000000000e+00, v2  }
0x1df: {  	[tilespmem:s11+$0xFFFFFE10] =	vst v5;
	v3 =	vmul.f32 $8.000000000e+00, v3;
	v4 =	vld [tilespmem:s15+$0xA0]  }
0x1e0: {  	v5 =	vld [tilespmem:s15+$0xFFFFFF20];
	v6 =	vmul.f32 $8.000000000e+00, v6;
	[tilespmem:s11+$0x1A0] =	vst v2  }
0x1e1: {  	[tilespmem:s11+$0xFFFFFEA0] =	vst v3;
	v1 =	vmul.f32 $8.000000000e+00, v1;
	v3 =	vld [tilespmem:s15+$0xF0]  }
0x1e2: {  	v8 =	vld [tilespmem:s15+$0xFFFFFF70];
	[tilespmem:s11+$0xFFFFFF20] =	vst v6;
	v2 =	vmul.f32 $8.000000000e+00, v7  }
0x1e3: {  	v7 =	vld [tilespmem:s15+$0xFFFFFFB0];
	[tilespmem:s11+$0xFFFFFFA0] =	vst v1;
	v1 =	vmul.f32 $8.000000000e+00, v0  }
.Ltmp19:
0x1e4: {  	v0 =	vld [tilespmem:s15+$0xFFFFFFF0];
	[tilespmem:s11+$0x20] =	vst v2;
	v4 =	vmul.f32 $8.000000000e+00, v4;
	(pc) =	sbr.rel @p0 .LBB2_29-.Ltmp19, $4  }
0x1e5: {  	v5 =	vmul.f32 $8.000000000e+00, v5;
	v2 =	vld [tilespmem:s15+$0x30];
	[tilespmem:s11+$0xA0] =	vst v1  }
0x1e6: {  	v1 =	vld [tilespmem:s15+$0x70];
	[tilespmem:s11+$0x120] =	vst v4;
	v9 =	vmul.f32 $8.000000000e+00, v3  }
0x1e7: {  	[tilespmem:s11+$0xFFFFFE20] =	vst v5;
	v6 =	vmul.f32 $8.000000000e+00, v8;
	v3 =	vld [tilespmem:s15+$0xB0]  }
0x1e8: {  	v4 =	vld [tilespmem:s15+$0xFFFFFF30];
	v5 =	vmul.f32 $8.000000000e+00, v7;
	[tilespmem:s11+$0x1B0] =	vst v9;
	s15 =	sadd.s32 $0x200, s15  }
0x1e9: {  	[tilespmem:s11+$0xFFFFFEB0] =	vst v6;
	v0 =	vmul.f32 $8.000000000e+00, v0  }
0x1ea: {  	[tilespmem:s11+$0xFFFFFF30] =	vst v5;
	v2 =	vmul.f32 $8.000000000e+00, v2  }
0x1eb: {  	p0 =	seq.s32 s12, $0x4F;
	[tilespmem:s11+$0xFFFFFFB0] =	vst v0;
	v61 =	vmul.f32 $8.000000000e+00, v1  }
.Ltmp20:
0x1ec: {  	s14 =	sadd.s32 s6, s10;
	[tilespmem:s11+$0x30] =	vst v2;
	v62 =	vmul.f32 $8.000000000e+00, v3;
	(pc) =	sbr.rel @p0 .LBB2_32-.Ltmp20, $4  }
0x1ed: {  	s14 =	sshll.u32 s14, $0x4;
	v63 =	vmul.f32 $8.000000000e+00, v4;
	[tilespmem:s11+$0xB0] =	vst v61  }
0x1ee: {  	s14 =	sand.u32 $0x1FFFFC00, s14;
	[tilespmem:s11+$0x130] =	vst v62  }
0x1ef: {  	s15 =	sadd.s32 s5, s14;
	[tilespmem:s11+$0xFFFFFE30] =	vst v63  }
0x1f0: {  	[hbm4b:s15+s2] =	stream.linear.scatter [tilespmem:s20], [sflag:$0xA], $0x2000, $0x38;
	[tilespmem:$0x15400] =	vst v63  }
.Ltmp21:
0x1f1: {  	(pc) =	sbr.rel .LBB2_4-.Ltmp21, $3  }
0x1f2: {  	_ =	sdelay $0x1  }
0x1f3: {  	s6 =	sadd.s32 $0x240, s6;
	s12 =	sadd.s32 $0x1, s12  }
0x1f4: {  	[tilespmem:s21], [sflag:$0x5] =	stream.indirect.gather [hbm4b:s4+s13], $0x40, s6, s13, $0xb8;
	[tilespmem:$0x15400] =	vst v63  }
.LBB2_33:
0x1f5: {  	_ =	sfence.sel $0x180000  }
0x1f6: {  	[bflag:$0x0] =	sbarrier.arrive $0xFFFF  }
0x1f7: {  	_ =	strace $0x9000004A  }
0x1f8: {  	s0 =	stileid.u32;
	[bflag:$0x2] =	sbarrier.arrive $0xFFFF  }
0x1f9: {  	p0 =	sne.s32 s0, $0x0;
	s0 =	rddreg [dreg:$0x2]  }
0x1fa: {  	s0 =	sadd.s32 @!p0 $0x100000, s0  }
0x1fb: {  	[sflag:s0] =	ssyncadd.tile.s32 @!p0 $0x1;
	_ =	shalt  }
.Lfunc_end2:
_tile_overlayer_lowered:
.L_overlay_start_2:
0x1fc: {  	(tag) =	ssettag $0x2  }
0x1fd: {  	s0 =	rddreg [dreg:$0x0];
	s2 =	stileid.u32  }
0x1fe: {  	s1 =	rddreg [dreg:$0x1];
	p0 =	sne.s32 s2, $0x0  }
0x1ff: {  	s3 =	rddreg [dreg:$0x2];
	[bflag:$0x3] =	sbarrier.arrive $0xFFFF;
	s2 =	simm.s32 @!p0 $0x1C0B  }
0x200: {  	[timem:s3], [sflag:s2] =	dma.local @!p0 [hbm:s0], s1  }
0x201: {  	s0 =	simm.s32 @!p0 $0xB  }
0x202: {  	_ =	swait.ge @!p0 [sflag:s0], s1  }
0x203: {  	s1 =	ssub.s32 @!p0 $0x0, s1;
	[sflag:s0] =	ssyncset.done @!p0 $0x0  }
0x204: {  	[sflag:s0] =	ssyncadd.s32 @!p0 s1  }
0x205: {  	[bflag:$0x3] =	sbarrier.arrive $0xFFFF  }
0x206: {  	_ =	shalt  }

// kernel: sparse-core-data-format-call.1.cloned.1.call-start
scs
called_computation.1_lowered:
.L_overlay_start_0:
0x0: {  	s2 =	sld [smem:$0x3FD9]  }
0x1: {  	s3 =	sld [smem:$0x3FFE];
	_ =	sdelay $0x1  }
0x2: {  	s1 =	srdreg.scid  }
0x3: {  	s0 =	sand.u32 $0x1, s1  }
0x4: {  	s18 =	sshll.u32 s0, $0xA;
	s2 =	sadd.s32 s3, s2  }
0x5: {  	s2 =	sadd.s32 s2, s18  }
0x6: {  	[smem:$0x3FC6] =	sst s2  }
0x7: {  	_ = 	snop  }
0x8: {  	s2 =	sld [smem:$0x3FC8];
	(tm) =	ssettm $0x1  }
0x9: {  	s19 =	sld [smem:$0x3FFB];
	_ =	sdelay $0x3  }
0xa: {  	_ =	strace s19  }
0xb: {  	s3 =	sld [smem:$0x3FFC];
	_ =	sdelay $0x3  }
0xc: {  	_ =	strace s3  }
0xd: {  	s3 =	sld [smem:$0x3FFD];
	_ =	sdelay $0x3  }
0xe: {  	_ =	strace s3  }
0xf: {  	_ =	strace $0x8FFFFFFF  }
0x10: {  	s20 =	sld [smem:$0x3FDB];
	_ =	sdelay $0x1  }
0x11: {  	s4 =	simm.s32 $_scs_section_size  }
0x12: {  	s5 =	simm.s32 $_size__tile_overlayer_lowered;
	s6 =	simm.s32 $_tile_overlayer_lowered  }
0x13: {  	s23 =	simm.s32 $0x1BFF;
	s22 =	sshll.u32 s6, $0x1;
	s3 =	sadd.s32 s4, s20  }
0x14: {  	s7 =	simm.s32 $0x0;
	s21 =	sshll.u32 s5, $0x1;
	s5 =	sadd.s32 s22, s3  }
0x15: {  	[timem:s7], [sflag:s23] =	dma.local [hbm:s5], s21  }
0x16: {  	_ =	swait.ge [sflag:s23], s21  }
0x17: {  	s4 =	ssub.s32 $0x0, s21;
	[sflag:s23] =	ssyncset.done $0x0  }
0x18: {  	[sflag:s23] =	ssyncadd.s32 s4;
	_ =	sdelay $0x1  }
0x19: {  	s24 =	simm.s32 $0x1B8B  }
0x1a: {  	_ =	swait.ge [sflag:s24], $0x1  }
0x1b: {  	[sflag:s24] =	ssyncset.done $0x0  }
0x1c: {  	s26 =	simm.s32 $0x1B8E;
	s25 =	sld [smem:$0x3FFE];
	[sflag:s24] =	ssyncadd.s32 $0xFFFFFFFF  }
0x1d: {  	s27 =	simm.s32 $execute0_lowered;
	[smem:$0x3FD2] =	sst s26  }
0x1e: {  	s5 =	sshll.u32 s27, $0x1;
	_ =	strace $0x80000046;
	[dreg:$0x1] =	wrdreg $0xFFFFFFFF  }
0x1f: {  	s28 =	simm.s32 $_size_execute0_lowered;
	s3 =	sadd.s32 s3, s5;
	[dreg:$0x0] =	wrdreg $0x0  }
0x20: {  	s5 =	sshll.u32 s28, $0x1;
	[dreg:$0x2] =	wrdreg s3  }
0x21: {  	[dreg:$0x3] =	wrdreg s5  }
0x22: {  	[dreg:$0x4] =	wrdreg $0xC0  }
0x23: {  	_ =	task [dreg:s7], $0x5FFFF  }
0x24: {  	[dreg:$0x1] =	wrdreg $0xFFFFFFFF  }
0x25: {  	[dreg:$0x0] =	wrdreg $0x60  }
0x26: {  	[dreg:$0x2] =	wrdreg s2  }
0x27: {  	[dreg:$0x3] =	wrdreg s25  }
0x28: {  	[dreg:$0x4] =	wrdreg $0x9  }
0x29: {  	_ =	task.clear_ibuf [dreg:s7], $0x5FFFF;
	_ =	strace $0x90000046  }
0x2a: {  	s29 =	simm.s32 $0x9;
	_ =	strace $0x80000048  }
0x2b: {  	_ =	swait.ge [sflag:s29], $0x1  }
0x2c: {  	[sflag:s29] =	ssyncadd.s32 $0xFFFFFFFF  }
0x2d: {  	_ =	strace $0x90000048  }
0x2e: {  	_ =	sfence  }
0x2f: {  	s30 =	sld [smem:$0x0];
	_ =	sdelay $0x2  }
0x30: {  	s31 =	sshll.u32 s1, $0xD;
	s1 =	sshrl.u32 s1, $0x2  }
0x31: {  	s3 =	sand.u32 $0x4000, s31;
	s1 =	sadd.s32 s1, s30  }
0x32: {  	s0 =	sor.u32 s3, s0;
	s1 =	sshll.u32 s1, $0x11  }
0x33: {  	s0 =	sor.u32 s1, s0  }
0x34: {  	s0 =	sadd.s32 $0x8F2B, s0  }
0x35: {  	[sflag:s0] =	ssyncadd.remote.s32 $0x1  }
0x36: {  	_ =	sfence.sel $0xFFFF  }
0x37: {  	[dreg:$0x0] =	wrdreg $0xFFFFFFFF;
	(pc) =	sbr.abs _section_cstart, $3  }
0x38: {  	[dreg:$0x1] =	wrdreg $0xFFFFFFFF  }
0x39: {  	_ =	task.clear_ibuf [dreg:s7], $0x2FFFF;
	_ =	strace $0x9FFFFFFF  }
0x3a: {  	(tm) =	ssettm $0x7FFFFFFF  }
0x3b: {  	_ =	shalt  }
tec
execute0_lowered:
.L_overlay_start_1:
0x0: {  	(tag) =	ssettag $0x1  }
0x1: {  	s0 =	srdreg.scid;
	s2 =	rddreg [dreg:$0x0]  }
0x2: {  	s5 =	rddreg [dreg:$0x1];
	s1 =	stileid.u32  }
0x3: {  	s4 =	simm.s32 $0x1;
	s6 =	simm.s32 $0x2;
	s15 =	simm.s32 $0x0  }
0x4: {  	p0 =	por $0x0, $0x0;
	s8 =	simm.s32 $0x80;
	s0 =	sshll.u32 s0, $0x4  }
0x5: {  	s14 =	simm.s32 $0x0;
	s9 =	simm.s32 $0x0;
	s3 =	sand.u32 $0x10, s0  }
.Ltmp0:
0x6: {  	s10 =	simm.s32 $0x0;
	s3 =	sor.u32 s1, s3;
	(pc) =	sbr.rel .LBB1_1-.Ltmp0, $4  }
0x7: {  	s0 =	rddreg [dreg:$0x2];
	_ =	strace $0x80000047;
	s3 =	sshll.u32 s3, $0x7  }
0x8: {  	s12 =	simm.s32 $0x0;
	[sflag:s4] =	ssyncpa.u1 $0x0;
	s7 =	ssub.s32 $0xF4200, s3  }
0x9: {  	s13 =	simm.s32 $0x0;
	[sflag:s6] =	ssyncpa.u1 $0x0;
	s6 =	sshrl.u32 s7, $0xC  }
0xa: {  	s5 =	sadd.s32 $0xE00, s5;
	s11 =	smov.u32 s3;
	s7 =	sadd.s32 $0x2, s6  }
.LBB1_5:
0xb: {  	p1 =	slt.u32 s13, $0x2  }
0xc: {  	s17 =	smov.u32 s15;
	p2 =	sgt.s32 @!p1 s15, $0xF41C0;
	s16 =	sshra.s32 @!p1 s15, $0x1F  }
0xd: {  	p3 =	sgt.s32 @!p1 s14, $0x40;
	s18 =	sshra.s32 @!p1 s14, $0x1F;
	p2 =	por !p2, p1  }
0xe: {  	s15 =	sand.u32 @!p1 s16, s15;
	p3 =	por !p3, p1;
	s16 =	smov.u32 s14  }
0xf: {  	s14 =	sand.u32 @!p1 s18, s14;
	s17 =	simm.s32 @p2 $0xF41C0;
	s16 =	simm.s32 @p3 $0x40  }
0x10: {  	s15 =	ssub.s32 @!p1 s17, s15;
	s14 =	ssub.s32 @!p1 s16, s14  }
0x11: {  	s18 =	smov.u32 s12;
	s16 =	sadd.s32 @!p1 $0xFFF0BE40, s15;
	s17 =	sadd.s32 @!p1 $0xFFFFFFC0, s14  }
0x12: {  	s15 =	ssub.s32 @!p1 $0xF4240, s15;
	p2 =	sgt.s32 @!p1 s16, $0x7F;
	p3 =	sgt.s32 @!p1 s17, $0x3F  }
0x13: {  	s14 =	ssub.s32 @!p1 $0x80, s14;
	p2 =	por !p2, p1;
	p3 =	por !p3, p1  }
0x14: {  	s16 =	sadd.s32 $0x1000, s11;
	s15 =	simm.s32 @!p2 $0x0;
	s14 =	simm.s32 @!p3 $0x0  }
0x15: {  	p2 =	sgt.s32 s16, $0xF423F;
	s14 =	smul.u32 @!p1 s14, s15;
	s15 =	sadd.s32 $0x40, s12  }
0x16: {  	s18 =	smov.u32 @p2 s15  }
0x17: {  	s16 =	smov.u32 @p2 s3;
	p2 =	sgt.s32 s18, $0x3F  }
0x18: {  	s18 =	simm.s32 @p2 $0x0;
	p2 =	sne.s32 s13, s7  }
.Ltmp1:
0x19: {  	p0 =	por !p0, !p0;
	s17 =	simm.s32 @!p1 $0x2;
	(pc) =	sbr.rel @!p2 .LBB1_6-.Ltmp1, $4  }
0x1a: {  	s15 =	smov.u32 s9;
	s9 =	smov.u32 s11;
	s14 =	sand.u32 @!p1 $0x3FFFFFFF, s14  }
0x1b: {  	s11 =	smov.u32 s16;
	_ =	swait.ge @!p1 [sflag:s17], s14;
	s19 =	ssub.s32 @!p1 $0x0, s14  }
0x1c: {  	s14 =	smov.u32 s10;
	s13 =	sadd.s32 $0x1, s13;
	[sflag:s17] =	ssyncset.done @!p1 $0x0  }
0x1d: {  	s10 =	smov.u32 s12;
	s12 =	smov.u32 s18;
	[sflag:s17] =	ssyncadd.s32 @!p1 s19  }
.LBB1_1:
0x1e: {  	p1 =	sgt.u32 s13, s6  }
0x1f: {  	s16 =	sshrl.u32 @!p1 s12, $0x3  }
0x20: {  	s17 =	sshll.u32 @!p1 s11, $0x3;
	s16 =	smul.u32 @!p1 $0x7A1400, s16  }
0x21: {  	s18 =	sshll.u32 @!p1 s12, $0x7;
	s17 =	sand.u32 @!p1 $0xFFFFFC00, s17  }
0x22: {  	s16 =	sadd.s32 @!p1 s16, s17;
	s17 =	sand.u32 @!p1 $0x380, s18  }
0x23: {  	s18 =	sand.u32 @!p1 $0x7F, s11;
	s16 =	sor.u32 @!p1 s17, s16  }
0x24: {  	s17 =	sor.u32 @!p1 s18, s16  }
0x25: {  	s18 =	smulhi.u32 @!p1 $0x218D6287, s17;
	_ =	sdelay $0x1  }
0x26: {  	s16 =	smulhi.u32 @!p1 $0x218D6287, s16;
	s18 =	sshrl.u32 @!p1 s18, $0x11  }
0x27: {  	s18 =	smul.u32 @!p1 $0xF4280, s18  }
0x28: {  	s19 =	sxor.u32 @!p1 $0xFFFFFFFF, s13;
	s16 =	sshrl.u32 @!p1 s16, $0x11  }
0x29: {  	s19 =	sshll.u32 @!p1 s19, $0xD;
	s16 =	sand.u32 @!p1 $0x3F, s16;
	s17 =	ssub.s32 @!p1 s17, s18  }
0x2a: {  	s16 =	smul.u32 @!p1 $0x1E850, s16;
	s18 =	sshrl.u32 @!p1 s17, $0x3;
	s17 =	sand.u32 @!p1 $0x7, s17  }
0x2b: {  	s19 =	sand.u32 @!p1 $0x2000, s19;
	s18 =	sadd.s32 @!p1 s2, s18;
	s17 =	sshll.u32 @!p1 s17, $0x12  }
0x2c: {  	s16 =	sadd.s32 @!p1 s16, s18;
	s17 =	sor.u32 @!p1 $0x400, s17;
	s18 =	simm.s32 @!p1 $0x7A1400  }
0x2d: {  	[tilespmem:s19], [sflag:$0x1] =	stream.strided.gather @!p1 [hbm4b:s16+s17], $0x2000, s18, s17, $0x38;
	[tilespmem:$0x8100] =	vst v63  }
0x2e: {  	p1 =	seq.s32 s13, $0x0  }
0x2f: {  	p2 =	sge.u32 @!p1 s13, s7  }
0x30: {  	p1 =	por p1, p2  }
.Ltmp2:
0x31: {  	_ = 	snop;
	(pc) =	sbr.rel @p1 .LBB1_5-.Ltmp2, $1  }
0x32: {  	_ =	sdelay $0x3  }
0x33: {  	s16 =	simm.s32 $0x1  }
0x34: {  	_ =	swait.ge [sflag:s4], $0x2000;
	s16 =	simm.s32 @!p0 $0x0  }
0x35: {  	[sflag:s4] =	ssyncset.done $0x0;
	s17 =	sshll.u32 s16, $0xD  }
0x36: {  	[sflag:s4] =	ssyncadd.s32 $0xFFFFE000;
	s17 =	sor.u32 $0x40, s17  }
0x37: {  	s16 =	smul.u32 $0x8200, s16;
	v0 =	vld [tilespmem:s17+$0x30]  }
0x38: {  	v1 =	vld [tilespmem:s17+$0xFFFFFFD0]  }
0x39: {  	s16 =	sshrl.u32 s16, $0x2;
	v5 =	vld [tilespmem:s17+$0xFFFFFFE0]  }
0x3a: {  	v6 =	vld [tilespmem:s17+$0xFFFFFFF0];
	s19 =	sor.u32 $0x4000, s16  }
0x3b: {  	s31 =	sand.u32 $0x1, s13;
	v4 =	vld [tilespmem:s17+$0x0];
	s18 =	sadd.s32 $0x0, s19  }
0x3c: {  	v3 =	vld [tilespmem:s17+$0x10];
	s16 =	smul.u32 $0x8200, s31;
	[tilespmem:s18+$0x1C70 ss:$0x41] =	vst.msk $0xffff, v0  }
0x3d: {  	v2 =	vld [tilespmem:s17+$0x20];
	[tilespmem:s18+$0x410 ss:$0x41] =	vst.msk $0xffff, v1  }
0x3e: {  	s16 =	sshrl.u32 s16, $0x2;
	v1 =	vld [tilespmem:s17+$0xFFFFFFC0];
	[tilespmem:s18+$0x820 ss:$0x41] =	vst.msk $0xffff, v5;
	s17 =	sadd.s32 $0x80, s17  }
0x3f: {  	s20 =	simm.s32 $0x4;
	s21 =	simm.s32 $0x8;
	s16 =	sor.u32 $0x4000, s16;
	[tilespmem:s18+$0xC30 ss:$0x41] =	vst.msk $0xffff, v6;
	v0 =	vld [tilespmem:s17+$0x30]  }
.LBB1_3:
0x40: {  	p1 =	sne.s32 s21, $0xFC;
	v5 =	vld [tilespmem:s17+$0xFFFFFFD0];
	[tilespmem:s18+$0x1040 ss:$0x41] =	vst.msk $0xffff, v4  }
0x41: {  	v6 =	vld [tilespmem:s17+$0xFFFFFFE0];
	[tilespmem:s18+$0x1450 ss:$0x41] =	vst.msk $0xffff, v3  }
0x42: {  	s22 =	sshra.s32 s20, $0x2;
	s20 =	smov.u32 s21;
	v7 =	vld [tilespmem:s17+$0xFFFFFFF0];
	[tilespmem:s18+$0x1860 ss:$0x41] =	vst.msk $0xffff, v2  }
.Ltmp3:
0x43: {  	v4 =	vld [tilespmem:s17+$0x0];
	[tilespmem:s18+$0x0 ss:$0x41] =	vst.msk $0xffff, v1;
	s18 =	sadd.s32 s22, s19;
	(pc) =	sbr.rel @p1 .LBB1_3-.Ltmp3, $4  }
0x44: {  	v3 =	vld [tilespmem:s17+$0x10];
	[tilespmem:s18+$0x1C70 ss:$0x41] =	vst.msk $0xffff, v0  }
0x45: {  	[tilespmem:s18+$0x410 ss:$0x41] =	vst.msk $0xffff, v5;
	v2 =	vld [tilespmem:s17+$0x20]  }
0x46: {  	v1 =	vld [tilespmem:s17+$0xFFFFFFC0];
	[tilespmem:s18+$0x820 ss:$0x41] =	vst.msk $0xffff, v6;
	s17 =	sadd.s32 $0x80, s17  }
0x47: {  	s21 =	sadd.s32 $0x4, s21;
	v0 =	vld [tilespmem:s17+$0x30];
	[tilespmem:s18+$0xC30 ss:$0x41] =	vst.msk $0xffff, v7  }
0x48: {  	s21 =	sshll.u32 s9, $0x7;
	s22 =	sshll.u32 s10, $0x3;
	s20 =	sshra.s32 s20, $0x2  }
0x49: {  	p1 =	sgt.s32 s9, $0xF41C0;
	s30 =	sshra.s32 s9, $0x1F;
	s25 =	sshra.s32 s10, $0x1F  }
0x4a: {  	v5 =	vld [tilespmem:s17+$0xFFFFFFD0];
	s28 =	sshrl.u32 s10, $0x3;
	s23 =	sand.u32 $0xFFFFFC00, s21;
	s22 =	sand.u32 $0xFFFFFC00, s22  }
0x4b: {  	[tilespmem:s18+$0x1040 ss:$0x41] =	vst.msk $0xffff, v4;
	v58 =	vld [tilespmem:s17+$0xFFFFFFE0];
	s21 =	sand.u32 $0x380, s21;
	s19 =	sadd.s32 s20, s19;
	s22 =	sadd.s32 s22, s23  }
0x4c: {  	v59 =	vld [tilespmem:s17+$0xFFFFFFF0];
	[tilespmem:s18+$0x1450 ss:$0x41] =	vst.msk $0xffff, v3;
	s29 =	sor.u32 s21, s22;
	s21 =	smov.u32 s9;
	s22 =	sand.u32 s30, s9  }
0x4d: {  	v60 =	vld [tilespmem:s17+$0x0];
	[tilespmem:s18+$0x1860 ss:$0x41] =	vst.msk $0xffff, v2;
	s30 =	sand.u32 $0x7, s10;
	s20 =	sshrl.u32 s29, $0x7;
	s21 =	simm.s32 @!p1 $0xF41C0  }
0x4e: {  	v61 =	vld [tilespmem:s17+$0x10];
	[tilespmem:s18+$0x0 ss:$0x41] =	vst.msk $0xffff, v1;
	p1 =	sgt.s32 s10, $0x40;
	s24 =	ssub.s32 s21, s22;
	s21 =	smov.u32 s10  }
0x4f: {  	v62 =	vld [tilespmem:s17+$0x20];
	[tilespmem:s19+$0x1C70 ss:$0x41] =	vst.msk $0xffff, v0;
	s31 =	smulhi.u32 $0x218DEF5, s20;
	s22 =	sand.u32 s25, s10;
	s21 =	simm.s32 @!p1 $0x40  }
0x50: {  	v63 =	vld [tilespmem:s17+$0xFFFFFFC0];
	[tilespmem:s19+$0x410 ss:$0x41] =	vst.msk $0xffff, v5;
	s26 =	sadd.s32 $0xFFF0BE40, s24;
	s17 =	ssub.s32 $0xF4240, s24;
	s21 =	ssub.s32 s21, s22  }
0x51: {  	[tilespmem:s19+$0x820 ss:$0x41] =	vst.msk $0xffff, v58;
	s23 =	sshrl.u32 s31, $0xD;
	p1 =	sgt.s32 s26, $0x7F;
	s27 =	sadd.s32 $0xFFFFFFC0, s21  }
0x52: {  	[tilespmem:s19+$0xC30 ss:$0x41] =	vst.msk $0xffff, v59;
	s23 =	smul.u32 $0xF4240, s23;
	s18 =	ssub.s32 $0x80, s21;
	p2 =	sgt.s32 s27, $0x3F  }
.Ltmp4:
0x53: {  	[tilespmem:s19+$0x1040 ss:$0x41] =	vst.msk $0xffff, v60;
	s17 =	simm.s32 @p1 $0x0;
	s18 =	simm.s32 @p2 $0x0;
	(pc) =	sbr.rel .LBB1_5-.Ltmp4, $4  }
0x54: {  	s29 =	sand.u32 $0xF, s28;
	[tilespmem:s19+$0x1450 ss:$0x41] =	vst.msk $0xffff, v61;
	s20 =	ssub.s32 s20, s23;
	s17 =	smul.u32 s18, s17  }
0x55: {  	[tilespmem:s19+$0x1860 ss:$0x41] =	vst.msk $0xffff, v62;
	s21 =	sshll.u32 s30, $0x12;
	s20 =	sshll.u32 s20, $0x4;
	s18 =	sadd.s32 s5, s29  }
0x56: {  	[tilespmem:s19+$0x0 ss:$0x41] =	vst.msk $0xffff, v63;
	s31 =	sor.u32 $0x40, s21;
	s18 =	sadd.s32 s20, s18;
	s17 =	sand.u32 $0x3FFFFFFF, s17  }
0x57: {  	[hbm4b:s18+s31] =	stream.strided.scatter [tilespmem:s16], [sflag:$0x2], s17, s8, s31, $0x18;
	[tilespmem:$0x8100] =	vst v63  }
.LBB1_6:
0x58: {  	_ =	sfence.sel $0x180000  }
0x59: {  	s2 =	simm.s32 $0x1;
	[bflag:$0x0] =	sbarrier.arrive $0xFFFF  }
0x5a: {  	s31 =	simm.s32 $0x2;
	[sflag:s2] =	ssyncpa.u1 $0x1  }
0x5b: {  	[sflag:s31] =	ssyncpa.u1 $0x1  }
0x5c: {  	p0 =	sne.s32 s1, $0x0;
	_ =	strace $0x90000047  }
0x5d: {  	s0 =	sadd.s32 @!p0 $0x100000, s0;
	[bflag:$0x2] =	sbarrier.arrive $0xFFFF  }
0x5e: {  	[sflag:s0] =	ssyncadd.tile.s32 @!p0 $0x1;
	_ =	shalt  }
.Lfunc_end1:
_tile_overlayer_lowered:
.L_overlay_start_2:
0x5f: {  	(tag) =	ssettag $0x2  }
0x60: {  	s0 =	rddreg [dreg:$0x0];
	s2 =	stileid.u32  }
0x61: {  	s1 =	rddreg [dreg:$0x1];
	p0 =	sne.s32 s2, $0x0  }
0x62: {  	s3 =	rddreg [dreg:$0x2];
	[bflag:$0x3] =	sbarrier.arrive $0xFFFF;
	s2 =	simm.s32 @!p0 $0x1C01  }
0x63: {  	[timem:s3], [sflag:s2] =	dma.local @!p0 [hbm:s0], s1  }
0x64: {  	s0 =	simm.s32 @!p0 $0x1  }
0x65: {  	_ =	swait.ge @!p0 [sflag:s0], s1  }
0x66: {  	s1 =	ssub.s32 @!p0 $0x0, s1;
	[sflag:s0] =	ssyncset.done @!p0 $0x0  }
0x67: {  	[sflag:s0] =	ssyncadd.s32 @!p0 s1  }
0x68: {  	[bflag:$0x3] =	sbarrier.arrive $0xFFFF  }
0x69: {  	_ =	shalt  }

// kernel: sparse-core-data-format-call.cloned.1.call-start
scs
called_computation_lowered:
.L_overlay_start_0:
0x0: {  	s2 =	sld [smem:$0x3FD9]  }
0x1: {  	s3 =	sld [smem:$0x3FFE];
	_ =	sdelay $0x1  }
0x2: {  	s1 =	srdreg.scid  }
0x3: {  	s0 =	sand.u32 $0x1, s1  }
0x4: {  	s18 =	sshll.u32 s0, $0xA;
	s2 =	sadd.s32 s3, s2  }
0x5: {  	s2 =	sadd.s32 s2, s18  }
0x6: {  	[smem:$0x3FC6] =	sst s2  }
0x7: {  	_ = 	snop  }
0x8: {  	s2 =	sld [smem:$0x3FD0];
	(tm) =	ssettm $0x1  }
0x9: {  	s19 =	sld [smem:$0x3FFB];
	_ =	sdelay $0x3  }
0xa: {  	_ =	strace s19  }
0xb: {  	s3 =	sld [smem:$0x3FFC];
	_ =	sdelay $0x3  }
0xc: {  	_ =	strace s3  }
0xd: {  	s3 =	sld [smem:$0x3FFD];
	_ =	sdelay $0x3  }
0xe: {  	_ =	strace s3  }
0xf: {  	_ =	strace $0x8FFFFFFF  }
0x10: {  	s20 =	sld [smem:$0x3FDB];
	_ =	sdelay $0x1  }
0x11: {  	s4 =	simm.s32 $_scs_section_size  }
0x12: {  	s5 =	simm.s32 $_size__tile_overlayer_lowered;
	s6 =	simm.s32 $_tile_overlayer_lowered  }
0x13: {  	s23 =	simm.s32 $0x1BFF;
	s22 =	sshll.u32 s6, $0x1;
	s3 =	sadd.s32 s4, s20  }
0x14: {  	s7 =	simm.s32 $0x0;
	s21 =	sshll.u32 s5, $0x1;
	s5 =	sadd.s32 s22, s3  }
0x15: {  	[timem:s7], [sflag:s23] =	dma.local [hbm:s5], s21  }
0x16: {  	_ =	swait.ge [sflag:s23], s21  }
0x17: {  	s4 =	ssub.s32 $0x0, s21;
	[sflag:s23] =	ssyncset.done $0x0  }
0x18: {  	[sflag:s23] =	ssyncadd.s32 s4;
	_ =	sdelay $0x1  }
0x19: {  	s24 =	simm.s32 $0x1B8B  }
0x1a: {  	_ =	swait.ge [sflag:s24], $0x1  }
0x1b: {  	[sflag:s24] =	ssyncset.done $0x0  }
0x1c: {  	s26 =	simm.s32 $0x1B8E;
	s25 =	sld [smem:$0x3FFE];
	[sflag:s24] =	ssyncadd.s32 $0xFFFFFFFF  }
0x1d: {  	s27 =	simm.s32 $execute0_lowered;
	[smem:$0x3FD2] =	sst s26  }
0x1e: {  	s5 =	sshll.u32 s27, $0x1;
	_ =	strace $0x8000004C;
	[dreg:$0x1] =	wrdreg $0xFFFFFFFF  }
0x1f: {  	s28 =	simm.s32 $_size_execute0_lowered;
	s3 =	sadd.s32 s3, s5;
	[dreg:$0x0] =	wrdreg $0x0  }
0x20: {  	s5 =	sshll.u32 s28, $0x1;
	[dreg:$0x2] =	wrdreg s3  }
0x21: {  	[dreg:$0x3] =	wrdreg s5  }
0x22: {  	[dreg:$0x4] =	wrdreg $0xC0  }
0x23: {  	_ =	task [dreg:s7], $0x5FFFF  }
0x24: {  	[dreg:$0x1] =	wrdreg $0xFFFFFFFF  }
0x25: {  	[dreg:$0x0] =	wrdreg $0x60  }
0x26: {  	[dreg:$0x2] =	wrdreg s25  }
0x27: {  	[dreg:$0x3] =	wrdreg s2  }
0x28: {  	[dreg:$0x4] =	wrdreg $0x9  }
0x29: {  	_ =	task.clear_ibuf [dreg:s7], $0x5FFFF;
	_ =	strace $0x9000004C  }
0x2a: {  	s29 =	simm.s32 $0x9;
	_ =	strace $0x8000004E  }
0x2b: {  	_ =	swait.ge [sflag:s29], $0x1  }
0x2c: {  	[sflag:s29] =	ssyncadd.s32 $0xFFFFFFFF  }
0x2d: {  	_ =	strace $0x9000004E  }
0x2e: {  	_ =	sfence  }
0x2f: {  	s30 =	sld [smem:$0x0];
	_ =	sdelay $0x2  }
0x30: {  	s31 =	sshll.u32 s1, $0xD;
	s1 =	sshrl.u32 s1, $0x2  }
0x31: {  	s3 =	sand.u32 $0x4000, s31;
	s1 =	sadd.s32 s1, s30  }
0x32: {  	s0 =	sor.u32 s3, s0;
	s1 =	sshll.u32 s1, $0x11  }
0x33: {  	s0 =	sor.u32 s1, s0  }
0x34: {  	s0 =	sadd.s32 $0x8F2B, s0  }
0x35: {  	[sflag:s0] =	ssyncadd.remote.s32 $0x1  }
0x36: {  	_ =	sfence.sel $0xFFFF  }
0x37: {  	[dreg:$0x0] =	wrdreg $0xFFFFFFFF;
	(pc) =	sbr.abs _section_cstart, $3  }
0x38: {  	[dreg:$0x1] =	wrdreg $0xFFFFFFFF  }
0x39: {  	_ =	task.clear_ibuf [dreg:s7], $0x2FFFF;
	_ =	strace $0x9FFFFFFF  }
0x3a: {  	(tm) =	ssettm $0x7FFFFFFF  }
0x3b: {  	_ =	shalt  }
tec
execute0_lowered:
.L_overlay_start_1:
0x0: {  	(tag) =	ssettag $0x1  }
0x1: {  	s0 =	srdreg.scid  }
0x2: {  	s1 =	sshll.u32 s0, $0x4  }
0x3: {  	s0 =	stileid.u32;
	s1 =	sand.u32 $0x10, s1  }
0x4: {  	s1 =	sor.u32 s0, s1  }
0x5: {  	s6 =	rddreg [dreg:$0x0];
	s4 =	simm.s32 $0x1;
	s2 =	sshll.u32 s1, $0x7  }
0x6: {  	s7 =	simm.s32 $0x2;
	s12 =	simm.s32 $0x0;
	s1 =	ssub.s32 $0x1000, s2  }
0x7: {  	s8 =	simm.s32 $0x8000;
	s13 =	simm.s32 $0x0;
	s3 =	sand.u32 $0xF80, s1  }
0x8: {  	s9 =	simm.s32 $0x0;
	s5 =	sshrl.u32 s1, $0xC;
	p0 =	sne.s32 s3, $0x0  }
.Ltmp0:
0x9: {  	s1 =	rddreg [dreg:$0x2];
	s4 =	simm.s32 @!p0 $0x0;
	(pc) =	sbr.rel .LBB1_1-.Ltmp0, $4  }
0xa: {  	s11 =	simm.s32 $0x0;
	s3 =	rddreg [dreg:$0x1];
	s5 =	sadd.s32 s4, s5  }
0xb: {  	_ =	strace $0x8000004D;
	s4 =	simm.s32 $0x1;
	s5 =	smul.u32 $0xC8, s5  }
0xc: {  	s6 =	sadd.s32 $0xE00, s6;
	s10 =	smov.u32 s2;
	[sflag:s4] =	ssyncpa.u1 $0x0  }
0xd: {  	p0 =	por $0x0, $0x0;
	[sflag:s7] =	ssyncpa.u1 $0x0;
	s7 =	sor.u32 $0x1, s5  }
.LBB1_4:
0xe: {  	s16 =	sshll.u32 s13, $0x3;
	s17 =	sand.u32 $0x78, s13  }
0xf: {  	s30 =	sand.u32 $0x7E00, s13;
	s12 =	sshll.u32 s12, $0xF;
	s16 =	sand.u32 $0xC00, s16  }
0x10: {  	[tilespmem:s15+$0x810 ss:$0x81] =	vst.msk $0xffff, v2;
	s31 =	sand.u32 $0x7, s13;
	s16 =	sor.u32 s17, s16;
	s17 =	sadd.s32 s3, s30  }
0x11: {  	[tilespmem:s15+$0x1020 ss:$0x81] =	vst.msk $0xffff, v0;
	s13 =	sshll.u32 s31, $0x12;
	s12 =	sadd.s32 s12, s17;
	s16 =	sshrl.u32 s16, $0x3  }
0x12: {  	[tilespmem:s15+$0x0 ss:$0x81] =	vst.msk $0xffff, v1;
	s13 =	sor.u32 $0x400, s13;
	s12 =	sadd.s32 s16, s12  }
0x13: {  	[hbm4b:s12+s13] =	stream.strided.scatter [tilespmem:s14], [sflag:$0x2], $0x2000, s8, s13, $0x20;
	[tilespmem:$0x8080] =	vst v63  }
.LBB1_5:
0x14: {  	s14 =	sadd.s32 $0x1, s9  }
0x15: {  	s12 =	sadd.s32 $0x1000, s10;
	s16 =	smov.u32 s10;
	p2 =	sgt.s32 s14, $0xC7  }
0x16: {  	s16 =	smov.u32 @p2 s12  }
0x17: {  	s14 =	simm.s32 @p2 $0x0;
	p2 =	sgt.s32 s16, $0xFFF  }
0x18: {  	s16 =	smov.u32 @p2 s2;
	p2 =	sne.s32 s11, s7  }
.Ltmp1:
0x19: {  	p1 =	slt.u32 s11, $0x2;
	(pc) =	sbr.rel @!p2 .LBB1_6-.Ltmp1, $4  }
0x1a: {  	s15 =	simm.s32 @!p1 $0x2  }
0x1b: {  	s13 =	smov.u32 s10;
	p0 =	por !p0, !p0;
	_ =	swait.ge @!p1 [sflag:s15], $0x2000  }
0x1c: {  	s12 =	smov.u32 s9;
	[sflag:s15] =	ssyncset.done @!p1 $0x0;
	s9 =	smov.u32 s14  }
0x1d: {  	s11 =	sadd.s32 $0x1, s11;
	[sflag:s15] =	ssyncadd.s32 @!p1 $0xFFFFE000;
	s10 =	smov.u32 s16  }
.LBB1_1:
0x1e: {  	p1 =	sge.u32 s11, s5  }
0x1f: {  	s14 =	sand.u32 @!p1 $0x1FFFFFF, s9  }
0x20: {  	s15 =	smulhi.u32 @!p1 $0x147AE15, s14;
	_ =	sdelay $0x1  }
0x21: {  	s15 =	smul.u32 @!p1 $0xC8, s15  }
0x22: {  	s16 =	sxor.u32 @!p1 $0xFFFFFFFF, s11;
	s17 =	smul.u32 @!p1 $0xC80, s10  }
0x23: {  	s31 =	sadd.s32 $0xFFFFFFFF, s11;
	s16 =	sshll.u32 @!p1 s16, $0xD;
	s14 =	ssub.s32 @!p1 s14, s15  }
0x24: {  	s15 =	sand.u32 @!p1 $0x2000, s16;
	s16 =	sadd.s32 @!p1 s6, s17;
	s14 =	sshll.u32 @!p1 s14, $0x4  }
0x25: {  	s17 =	simm.s32 @!p1 $0x6400;
	s14 =	sadd.s32 @!p1 s14, s16;
	s16 =	simm.s32 @!p1 $0x40  }
0x26: {  	[tilespmem:s15], [sflag:$0x1] =	stream.strided.gather @!p1 [hbm4b:s14+s16], $0x2000, s17, s16, $0x38;
	[tilespmem:$0x8080] =	vst v63  }
0x27: {  	p1 =	sge.u32 s31, s5  }
.Ltmp2:
0x28: {  	_ = 	snop;
	(pc) =	sbr.rel @p1 .LBB1_5-.Ltmp2, $1  }
0x29: {  	_ =	sdelay $0x3  }
0x2a: {  	s14 =	simm.s32 $0x1  }
0x2b: {  	_ =	swait.ge [sflag:s4], $0x2000;
	s14 =	simm.s32 @!p0 $0x0  }
0x2c: {  	[sflag:s4] =	ssyncset.done $0x0;
	s15 =	sshll.u32 s14, $0xD  }
0x2d: {  	[sflag:s4] =	ssyncadd.s32 $0xFFFFE000;
	s18 =	sor.u32 $0x20, s15  }
0x2e: {  	s14 =	smul.u32 $0x8100, s14;
	v3 =	vld [tilespmem:s18+$0x10]  }
0x2f: {  	s30 =	sand.u32 $0x1, s11;
	v2 =	vld [tilespmem:s18+$0xFFFFFFF0]  }
0x30: {  	s15 =	smul.u32 $0x8100, s30;
	s14 =	sshrl.u32 s14, $0x2;
	v0 =	vld [tilespmem:s18+$0x0]  }
0x31: {  	v1 =	vld [tilespmem:s18+$0xFFFFFFE0];
	s16 =	sor.u32 $0x4000, s14  }
0x32: {  	s31 =	sshrl.u32 s15, $0x2;
	s15 =	sadd.s32 $0x0, s16  }
0x33: {  	s17 =	simm.s32 $0x4;
	s18 =	sadd.s32 $0x40, s18;
	s14 =	sor.u32 $0x4000, s31;
	[tilespmem:s15+$0x1830 ss:$0x81] =	vst.msk $0xffff, v3  }
.LBB1_3:
0x34: {  	v3 =	vld [tilespmem:s18+$0x10];
	p1 =	sne.s32 s17, $0x1FC;
	[tilespmem:s15+$0x810 ss:$0x81] =	vst.msk $0xffff, v2;
	s19 =	smov.u32 s17;
	s17 =	sadd.s32 $0x4, s17  }
.Ltmp3:
0x35: {  	v2 =	vld [tilespmem:s18+$0xFFFFFFF0];
	[tilespmem:s15+$0x1020 ss:$0x81] =	vst.msk $0xffff, v0;
	(pc) =	sbr.rel @p1 .LBB1_3-.Ltmp3, $4  }
0x36: {  	v0 =	vld [tilespmem:s18+$0x0];
	[tilespmem:s15+$0x0 ss:$0x81] =	vst.msk $0xffff, v1  }
0x37: {  	s15 =	sshra.s32 s19, $0x2;
	v1 =	vld [tilespmem:s18+$0xFFFFFFE0]  }
0x38: {  	s15 =	sadd.s32 s15, s16  }
0x39: {  	s18 =	sadd.s32 $0x40, s18;
	[tilespmem:s15+$0x1830 ss:$0x81] =	vst.msk $0xffff, v3  }
.Ltmp4:
0x3a: {  	_ = 	snop;
	(pc) =	sbr.rel .LBB1_4-.Ltmp4, $1  }
0x3b: {  	_ =	sdelay $0x3  }
.LBB1_6:
0x3c: {  	_ =	sfence.sel $0x180000  }
0x3d: {  	s2 =	simm.s32 $0x1;
	[bflag:$0x0] =	sbarrier.arrive $0xFFFF  }
0x3e: {  	s31 =	simm.s32 $0x2;
	[sflag:s2] =	ssyncpa.u1 $0x1  }
0x3f: {  	[sflag:s31] =	ssyncpa.u1 $0x1  }
0x40: {  	p0 =	sne.s32 s0, $0x0;
	_ =	strace $0x9000004D  }
0x41: {  	s0 =	sadd.s32 @!p0 $0x100000, s1;
	[bflag:$0x2] =	sbarrier.arrive $0xFFFF  }
0x42: {  	[sflag:s0] =	ssyncadd.tile.s32 @!p0 $0x1;
	_ =	shalt  }
.Lfunc_end1:
_tile_overlayer_lowered:
.L_overlay_start_2:
0x43: {  	(tag) =	ssettag $0x2  }
0x44: {  	s0 =	rddreg [dreg:$0x0];
	s2 =	stileid.u32  }
0x45: {  	s1 =	rddreg [dreg:$0x1];
	p0 =	sne.s32 s2, $0x0  }
0x46: {  	s3 =	rddreg [dreg:$0x2];
	[bflag:$0x3] =	sbarrier.arrive $0xFFFF;
	s2 =	simm.s32 @!p0 $0x1C01  }
0x47: {  	[timem:s3], [sflag:s2] =	dma.local @!p0 [hbm:s0], s1  }
0x48: {  	s0 =	simm.s32 @!p0 $0x1  }
0x49: {  	_ =	swait.ge @!p0 [sflag:s0], s1  }
0x4a: {  	s1 =	ssub.s32 @!p0 $0x0, s1;
	[sflag:s0] =	ssyncset.done @!p0 $0x0  }
0x4b: {  	[sflag:s0] =	ssyncadd.s32 @!p0 s1  }
0x4c: {  	[bflag:$0x3] =	sbarrier.arrive $0xFFFF  }
0x4d: {  	_ =	shalt  }

</sc_bundles>
